<compile_context>
chip_gen: v7x
topology: tpu7x:2x2x1
jax: 0.10.2.dev20260603
libtpu: 0.0.44.dev20260713+nightly
codegen_flags: <defaults>
</compile_context>

<pallas_src>
import functools

import jax
import jax.numpy as jnp
from jax import lax
from jax.experimental import pallas as pl
from jax.experimental.pallas import tpu as pltpu
from jax.experimental.pallas import tpu_sc as plsc

N_NODES = 10000
N_EDGES = 320000
D = 128
NC, NS = 2, 16
NW = NC * NS
C = 128
N_CHUNKS = N_EDGES // C
FULL = N_CHUNKS // NW
REM = N_CHUNKS - FULL * NW
RPT = 624
TAIL_ROWS = N_NODES - RPT * NS


def _sc_aggregate(x, src, dst, edge_attr):
    mesh = plsc.VectorSubcoreMesh(core_axis_name="c", subcore_axis_name="s")

    @functools.partial(
        pl.kernel,
        out_type=jax.ShapeDtypeStruct((NC, N_NODES, D), jnp.float32),
        mesh=mesh,
        scratch_types=[
            pltpu.VMEM_SHARED((N_NODES, D), jnp.float32),
            pltpu.VMEM((C, D), jnp.float32),
            pltpu.VMEM((C, D), jnp.float32),
            pltpu.VMEM((C,), jnp.int32),
            pltpu.VMEM((C,), jnp.int32),
            pltpu.SemaphoreType.DMA,
        ],
    )
    def k(x_hbm, src_hbm, dst_hbm, ea_hbm, out_hbm,
          aggr_s, msg_v, xg_v, sidx_v, didx_v, sem):
        cid = lax.axis_index("c")
        sid = lax.axis_index("s")
        wid = sid * NC + cid

        zero16 = jnp.zeros((16,), jnp.float32)

        def zrow(r, carry):
            for j in range(D // 16):
                xg_v[r, pl.ds(j * 16, 16)] = zero16
            return carry

        lax.fori_loop(0, C, zrow, 0)
        row0 = sid * RPT
        for q in range(4):
            pltpu.sync_copy(xg_v, aggr_s.at[pl.ds(row0 + q * C, C)])
        tail = RPT - 4 * C
        pltpu.sync_copy(xg_v.at[pl.ds(0, tail)],
                        aggr_s.at[pl.ds(row0 + 4 * C, tail)])

        @pl.when(sid == NS - 1)
        def _():
            pltpu.sync_copy(xg_v.at[pl.ds(0, TAIL_ROWS)],
                            aggr_s.at[pl.ds(NS * RPT, TAIL_ROWS)])

        plsc.subcore_barrier()

        def chunk_body(c, carry):
            base = (c * NW + wid) * C
            pltpu.sync_copy(src_hbm.at[pl.ds(base, C)], sidx_v)
            pltpu.sync_copy(dst_hbm.at[pl.ds(base, C)], didx_v)
            pltpu.sync_copy(ea_hbm.at[pl.ds(base, C)], msg_v)
            pltpu.async_copy(x_hbm.at[sidx_v], xg_v, sem).wait()

            def rbody(r, rc):
                for j in range(D // 16):
                    sl = pl.ds(j * 16, 16)
                    msg_v[r, sl] = jnp.maximum(msg_v[r, sl] + xg_v[r, sl], 0.0)
                return rc

            lax.fori_loop(0, C, rbody, 0)
            pltpu.sync_copy(msg_v, aggr_s.at[didx_v], add=True)
            return carry

        lax.fori_loop(0, FULL, chunk_body, 0)

        @pl.when(wid < REM)
        def _():
            chunk_body(FULL, 0)

        plsc.subcore_barrier()
        pltpu.sync_copy(aggr_s.at[pl.ds(row0, RPT)],
                        out_hbm.at[cid, pl.ds(row0, RPT)])

        @pl.when(sid == NS - 1)
        def _():
            pltpu.sync_copy(aggr_s.at[pl.ds(NS * RPT, TAIL_ROWS)],
                            out_hbm.at[cid, pl.ds(NS * RPT, TAIL_ROWS)])

    return k(x, src, dst, edge_attr)


def _tc_mlp(x, a0, a1, W1, b1, W2, b2):
    R = 400

    def body(x_ref, a0_ref, a1_ref, w1_ref, b1_ref, w2_ref, b2_ref, o_ref):
        xb = x_ref[...]
        h = xb + a0_ref[...] + a1_ref[...]
        h = jnp.maximum(
            jnp.dot(h, w1_ref[...], preferred_element_type=jnp.float32)
            + b1_ref[...], 0.0)
        h = jnp.maximum(
            jnp.dot(h, w2_ref[...], preferred_element_type=jnp.float32)
            + b2_ref[...], 0.0)
        o_ref[...] = xb + h

    return pl.pallas_call(
        body,
        grid=(N_NODES // R,),
        in_specs=[
            pl.BlockSpec((R, D), lambda i: (i, 0)),
            pl.BlockSpec((R, D), lambda i: (i, 0)),
            pl.BlockSpec((R, D), lambda i: (i, 0)),
            pl.BlockSpec((D, D), lambda i: (0, 0)),
            pl.BlockSpec((1, D), lambda i: (0, 0)),
            pl.BlockSpec((D, D), lambda i: (0, 0)),
            pl.BlockSpec((1, D), lambda i: (0, 0)),
        ],
        out_specs=pl.BlockSpec((R, D), lambda i: (i, 0)),
        out_shape=jax.ShapeDtypeStruct((N_NODES, D), jnp.float32),
    )(x, a0, a1, W1, b1.reshape(1, D), W2, b2.reshape(1, D))


def kernel(x, edge_index, edge_attr, W1, b1, W2, b2):
    ei = edge_index.astype(jnp.int32)
    aggr = _sc_aggregate(x, ei[0], ei[1], edge_attr)
    return _tc_mlp(x, aggr[0], aggr[1], W1, b1, W2, b2)

# --- scband reference (transcript-rebuilt; emitter-appended) ---
"""Pipeline reference for scband-gineconv-layer-22832046145887 (READ-ONLY COPY).

The authoritative reference and input builder live on the scoring server;
editing this copy changes nothing except your own understanding.
"""

import jax, jax.numpy as jnp
import numpy as np

N_NODES = 10000
N_EDGES = 320000
DIM_IN = 128
DIM_OUT = 128


def setup_inputs(seed: int = 0) -> dict:
    key = jax.random.key(seed)
    k_x, k_ei, k_ea, k_w1, k_b1, k_w2, k_b2 = jax.random.split(key, 7)
    x = jax.random.normal(k_x, (N_NODES, DIM_IN), dtype=jnp.float32)
    edge_index = jax.random.randint(k_ei, (2, N_EDGES), 0, N_NODES, dtype=jnp.int64)
    edge_attr = jax.random.normal(k_ea, (N_EDGES, DIM_IN), dtype=jnp.float32)
    # gin_nn: Linear(dim_in, dim_out) -> ReLU -> Linear(dim_out, dim_out)
    s1 = 1.0 / np.sqrt(DIM_IN)
    s2 = 1.0 / np.sqrt(DIM_OUT)
    W1 = jax.random.uniform(k_w1, (DIM_IN, DIM_OUT), dtype=jnp.float32, minval=-s1, maxval=s1)
    b1 = jax.random.uniform(k_b1, (DIM_OUT,), dtype=jnp.float32, minval=-s1, maxval=s1)
    W2 = jax.random.uniform(k_w2, (DIM_OUT, DIM_OUT), dtype=jnp.float32, minval=-s2, maxval=s2)
    b2 = jax.random.uniform(k_b2, (DIM_OUT,), dtype=jnp.float32, minval=-s2, maxval=s2)
    return {"x": x, "edge_index": edge_index, "edge_attr": edge_attr,
            "W1": W1, "b1": b1, "W2": W2, "b2": b2}


def reference(x, edge_index, edge_attr, W1, b1, W2, b2):
    # GINEConv (eps=0): aggr_i = sum_{j in N(i)} relu(x_j + e_ji)
    src = edge_index[0]
    dst = edge_index[1]
    msg = jax.nn.relu(jnp.take(x, src, axis=0) + edge_attr)
    aggr = jnp.zeros((x.shape[0], x.shape[1]), dtype=x.dtype).at[dst].add(msg)
    h = (1.0 + 0.0) * x + aggr
    # gin_nn MLP
    h = jnp.maximum(h @ W1 + b1, 0.0)
    h = h @ W2 + b2
    # outer layer: relu, dropout(p=0.0) is identity, residual
    h = jax.nn.relu(h)
    out = x + h
    return out

if __name__ == "__main__":
    import jax
    _d = setup_inputs()
    print(jax.jit(kernel)(*tuple(_d.values())))

</pallas_src>

<mosaic_0001>
#map = affine_map<(d0, d1) -> (0, 0)>
#map1 = affine_map<(d0, d1) -> (0)>
#map2 = affine_map<(d0, d1) -> (0, 0, 0)>
module attributes {stable_mosaic.version = 14 : i64} {
  func.func @k(%arg0: i32, %arg1: i32, %arg2: memref<10000x128xf32, #tpu.memory_space<hbm>>, %arg3: memref<320000xi32, #tpu.memory_space<hbm>>, %arg4: memref<320000xi32, #tpu.memory_space<hbm>>, %arg5: memref<320000x128xf32, #tpu.memory_space<hbm>>, %arg6: memref<2x10000x128xf32, #tpu.memory_space<hbm>>, %arg7: memref<10000x128xf32, #tpu.memory_space<vmem_shared>>, %arg8: memref<128x128xf32, #tpu.memory_space<vmem>>, %arg9: memref<128x128xf32, #tpu.memory_space<vmem>>, %arg10: memref<128xi32, #tpu.memory_space<vmem>>, %arg11: memref<128xi32, #tpu.memory_space<vmem>>, %arg12: memref<!tpu.dma_semaphore, #tpu.memory_space<semaphore_mem>>) attributes {dimension_semantics = [#tpu.dimension_semantics<core_parallel>, #tpu.dimension_semantics<subcore_parallel>], iteration_bounds = array<i64: 2, 16>, scalar_prefetch = 0 : i64, scratch_operands = 6 : i64, tpu.core_type = #tpu.core_type<sc_vector_subcore>, window_params = [{transform_indices = #map}, {transform_indices = #map1}, {transform_indices = #map1}, {transform_indices = #map}, {transform_indices = #map2}]} {
    %mul3A = arith.constant 2 : i32
    %mul3A_0 = arith.muli %arg1, %mul3A : i32
    %add3A = arith.addi %mul3A_0, %arg0 : i32
    %broadcast_in_dim3A = arith.constant 0.000000e+00 : f32
    %broadcast_in_dim3A_1 = vector.broadcast %broadcast_in_dim3A : f32 to vector<16xf32>
    %scan3A = arith.constant 0 : i32
    %scan3A_2 = arith.constant 0 : i32
    %scan3A_3 = arith.constant 128 : i32
    %scan3A_4 = arith.addi %scan3A_2, %scan3A_3 : i32
    %scan3A_5 = arith.constant 1 : i32
    scf.for %scan3A_37 = %scan3A_2 to %scan3A_4 step %scan3A_5  : i32 {
      %swap3A = arith.index_cast %scan3A_37 : i32 to index
      %swap3A_38 = arith.constant 0 : index
      %swap3A_39 = tpu.vector_load %arg9[%swap3A, %swap3A_38] {strides = array<i32>} : memref<128x128xf32, #tpu.memory_space<vmem>>, vector<1x16xf32>,
      %swap3A_40 = vector.shape_cast %swap3A_39 : vector<1x16xf32> to vector<16xf32>
      %swap3A_41 = vector.shape_cast %broadcast_in_dim3A_1 : vector<16xf32> to vector<1x16xf32>
      tpu.vector_store %arg9[%swap3A, %swap3A_38], %swap3A_41 {strides = array<i32>} : memref<128x128xf32, #tpu.memory_space<vmem>>, vector<1x16xf32>,
      %swap3A_42 = arith.index_cast %scan3A_37 : i32 to index
      %swap3A_43 = arith.constant 16 : index
      %swap3A_44 = tpu.vector_load %arg9[%swap3A_42, %swap3A_43] {strides = array<i32>} : memref<128x128xf32, #tpu.memory_space<vmem>>, vector<1x16xf32>,
      %swap3A_45 = vector.shape_cast %swap3A_44 : vector<1x16xf32> to vector<16xf32>
      %swap3A_46 = vector.shape_cast %broadcast_in_dim3A_1 : vector<16xf32> to vector<1x16xf32>
      tpu.vector_store %arg9[%swap3A_42, %swap3A_43], %swap3A_46 {strides = array<i32>} : memref<128x128xf32, #tpu.memory_space<vmem>>, vector<1x16xf32>,
      %swap3A_47 = arith.index_cast %scan3A_37 : i32 to index
      %swap3A_48 = arith.constant 32 : index
      %swap3A_49 = tpu.vector_load %arg9[%swap3A_47, %swap3A_48] {strides = array<i32>} : memref<128x128xf32, #tpu.memory_space<vmem>>, vector<1x16xf32>,
      %swap3A_50 = vector.shape_cast %swap3A_49 : vector<1x16xf32> to vector<16xf32>
      %swap3A_51 = vector.shape_cast %broadcast_in_dim3A_1 : vector<16xf32> to vector<1x16xf32>
      tpu.vector_store %arg9[%swap3A_47, %swap3A_48], %swap3A_51 {strides = array<i32>} : memref<128x128xf32, #tpu.memory_space<vmem>>, vector<1x16xf32>,
      %swap3A_52 = arith.index_cast %scan3A_37 : i32 to index
      %swap3A_53 = arith.constant 48 : index
      %swap3A_54 = tpu.vector_load %arg9[%swap3A_52, %swap3A_53] {strides = array<i32>} : memref<128x128xf32, #tpu.memory_space<vmem>>, vector<1x16xf32>,
      %swap3A_55 = vector.shape_cast %swap3A_54 : vector<1x16xf32> to vector<16xf32>
      %swap3A_56 = vector.shape_cast %broadcast_in_dim3A_1 : vector<16xf32> to vector<1x16xf32>
      tpu.vector_store %arg9[%swap3A_52, %swap3A_53], %swap3A_56 {strides = array<i32>} : memref<128x128xf32, #tpu.memory_space<vmem>>, vector<1x16xf32>,
      %swap3A_57 = arith.index_cast %scan3A_37 : i32 to index
      %swap3A_58 = arith.constant 64 : index
      %swap3A_59 = tpu.vector_load %arg9[%swap3A_57, %swap3A_58] {strides = array<i32>} : memref<128x128xf32, #tpu.memory_space<vmem>>, vector<1x16xf32>,
      %swap3A_60 = vector.shape_cast %swap3A_59 : vector<1x16xf32> to vector<16xf32>
      %swap3A_61 = vector.shape_cast %broadcast_in_dim3A_1 : vector<16xf32> to vector<1x16xf32>
      tpu.vector_store %arg9[%swap3A_57, %swap3A_58], %swap3A_61 {strides = array<i32>} : memref<128x128xf32, #tpu.memory_space<vmem>>, vector<1x16xf32>,
      %swap3A_62 = arith.index_cast %scan3A_37 : i32 to index
      %swap3A_63 = arith.constant 80 : index
      %swap3A_64 = tpu.vector_load %arg9[%swap3A_62, %swap3A_63] {strides = array<i32>} : memref<128x128xf32, #tpu.memory_space<vmem>>, vector<1x16xf32>,
      %swap3A_65 = vector.shape_cast %swap3A_64 : vector<1x16xf32> to vector<16xf32>
      %swap3A_66 = vector.shape_cast %broadcast_in_dim3A_1 : vector<16xf32> to vector<1x16xf32>
      tpu.vector_store %arg9[%swap3A_62, %swap3A_63], %swap3A_66 {strides = array<i32>} : memref<128x128xf32, #tpu.memory_space<vmem>>, vector<1x16xf32>,
      %swap3A_67 = arith.index_cast %scan3A_37 : i32 to index
      %swap3A_68 = arith.constant 96 : index
      %swap3A_69 = tpu.vector_load %arg9[%swap3A_67, %swap3A_68] {strides = array<i32>} : memref<128x128xf32, #tpu.memory_space<vmem>>, vector<1x16xf32>,
      %swap3A_70 = vector.shape_cast %swap3A_69 : vector<1x16xf32> to vector<16xf32>
      %swap3A_71 = vector.shape_cast %broadcast_in_dim3A_1 : vector<16xf32> to vector<1x16xf32>
      tpu.vector_store %arg9[%swap3A_67, %swap3A_68], %swap3A_71 {strides = array<i32>} : memref<128x128xf32, #tpu.memory_space<vmem>>, vector<1x16xf32>,
      %swap3A_72 = arith.index_cast %scan3A_37 : i32 to index
      %swap3A_73 = arith.constant 112 : index
      %swap3A_74 = tpu.vector_load %arg9[%swap3A_72, %swap3A_73] {strides = array<i32>} : memref<128x128xf32, #tpu.memory_space<vmem>>, vector<1x16xf32>,
      %swap3A_75 = vector.shape_cast %swap3A_74 : vector<1x16xf32> to vector<16xf32>
      %swap3A_76 = vector.shape_cast %broadcast_in_dim3A_1 : vector<16xf32> to vector<1x16xf32>
      tpu.vector_store %arg9[%swap3A_72, %swap3A_73], %swap3A_76 {strides = array<i32>} : memref<128x128xf32, #tpu.memory_space<vmem>>, vector<1x16xf32>,
    }
    %scan3A_6 = arith.constant 128 : i32
    %mul3A_7 = arith.constant 624 : i32
    %mul3A_8 = arith.muli %arg1, %mul3A_7 : i32
    %add3A_9 = arith.constant 0 : i32
    %add3A_10 = arith.addi %mul3A_8, %add3A_9 : i32
    "tpu.region"() ({
      %run_scoped3A = tpu.sem_alloc : memref<!tpu.dma_semaphore, #tpu.memory_space<semaphore_mem>>
      %dma_start3A = arith.constant 0 : i32
      %dma_start3A_37 = tpu.memref_slice %arg7[%add3A_10, %dma_start3A] : memref<10000x128xf32, #tpu.memory_space<vmem_shared>> -> memref<128x128xf32, #tpu.memory_space<vmem_shared>>
      %dma_start3A_38 = arith.constant 0 : i32
      %dma_start3A_39 = tpu.memref_slice %arg7[%add3A_10, %dma_start3A_38] : memref<10000x128xf32, #tpu.memory_space<vmem_shared>> -> memref<128x128xf32, #tpu.memory_space<vmem_shared>>
      tpu.enqueue_dma source(%arg9 : memref<128x128xf32, #tpu.memory_space<vmem>>) target(%dma_start3A_39 : memref<128x128xf32, #tpu.memory_space<vmem_shared>>) target_semaphore(%run_scoped3A : memref<!tpu.dma_semaphore, #tpu.memory_space<semaphore_mem>>)
      %dma_wait3A = arith.constant 0 : i32
      %dma_wait3A_40 = tpu.memref_slice %arg7[%add3A_10, %dma_wait3A] : memref<10000x128xf32, #tpu.memory_space<vmem_shared>> -> memref<128x128xf32, #tpu.memory_space<vmem_shared>>
      %dma_wait3A_41 = arith.constant 0 : i32
      %dma_wait3A_42 = tpu.memref_slice %arg7[%add3A_10, %dma_wait3A_41] : memref<10000x128xf32, #tpu.memory_space<vmem_shared>> -> memref<128x128xf32, #tpu.memory_space<vmem_shared>>
      tpu.wait_dma2 semaphore(%run_scoped3A : memref<!tpu.dma_semaphore, #tpu.memory_space<semaphore_mem>>) src(%arg9 : memref<128x128xf32, #tpu.memory_space<vmem>>) dst(%dma_wait3A_42 : memref<128x128xf32, #tpu.memory_space<vmem_shared>>)
      tpu.yield
    }) : () -> ()
    %add3A_11 = arith.constant 128 : i32
    %add3A_12 = arith.addi %mul3A_8, %add3A_11 : i32
    "tpu.region"() ({
      %run_scoped3A = tpu.sem_alloc : memref<!tpu.dma_semaphore, #tpu.memory_space<semaphore_mem>>
      %dma_start3A = arith.constant 0 : i32
      %dma_start3A_37 = tpu.memref_slice %arg7[%add3A_12, %dma_start3A] : memref<10000x128xf32, #tpu.memory_space<vmem_shared>> -> memref<128x128xf32, #tpu.memory_space<vmem_shared>>
      %dma_start3A_38 = arith.constant 0 : i32
      %dma_start3A_39 = tpu.memref_slice %arg7[%add3A_12, %dma_start3A_38] : memref<10000x128xf32, #tpu.memory_space<vmem_shared>> -> memref<128x128xf32, #tpu.memory_space<vmem_shared>>
      tpu.enqueue_dma source(%arg9 : memref<128x128xf32, #tpu.memory_space<vmem>>) target(%dma_start3A_39 : memref<128x128xf32, #tpu.memory_space<vmem_shared>>) target_semaphore(%run_scoped3A : memref<!tpu.dma_semaphore, #tpu.memory_space<semaphore_mem>>)
      %dma_wait3A = arith.constant 0 : i32
      %dma_wait3A_40 = tpu.memref_slice %arg7[%add3A_12, %dma_wait3A] : memref<10000x128xf32, #tpu.memory_space<vmem_shared>> -> memref<128x128xf32, #tpu.memory_space<vmem_shared>>
      %dma_wait3A_41 = arith.constant 0 : i32
      %dma_wait3A_42 = tpu.memref_slice %arg7[%add3A_12, %dma_wait3A_41] : memref<10000x128xf32, #tpu.memory_space<vmem_shared>> -> memref<128x128xf32, #tpu.memory_space<vmem_shared>>
      tpu.wait_dma2 semaphore(%run_scoped3A : memref<!tpu.dma_semaphore, #tpu.memory_space<semaphore_mem>>) src(%arg9 : memref<128x128xf32, #tpu.memory_space<vmem>>) dst(%dma_wait3A_42 : memref<128x128xf32, #tpu.memory_space<vmem_shared>>)
      tpu.yield
    }) : () -> ()
    %add3A_13 = arith.constant 256 : i32
    %add3A_14 = arith.addi %mul3A_8, %add3A_13 : i32
    "tpu.region"() ({
      %run_scoped3A = tpu.sem_alloc : memref<!tpu.dma_semaphore, #tpu.memory_space<semaphore_mem>>
      %dma_start3A = arith.constant 0 : i32
      %dma_start3A_37 = tpu.memref_slice %arg7[%add3A_14, %dma_start3A] : memref<10000x128xf32, #tpu.memory_space<vmem_shared>> -> memref<128x128xf32, #tpu.memory_space<vmem_shared>>
      %dma_start3A_38 = arith.constant 0 : i32
      %dma_start3A_39 = tpu.memref_slice %arg7[%add3A_14, %dma_start3A_38] : memref<10000x128xf32, #tpu.memory_space<vmem_shared>> -> memref<128x128xf32, #tpu.memory_space<vmem_shared>>
      tpu.enqueue_dma source(%arg9 : memref<128x128xf32, #tpu.memory_space<vmem>>) target(%dma_start3A_39 : memref<128x128xf32, #tpu.memory_space<vmem_shared>>) target_semaphore(%run_scoped3A : memref<!tpu.dma_semaphore, #tpu.memory_space<semaphore_mem>>)
      %dma_wait3A = arith.constant 0 : i32
      %dma_wait3A_40 = tpu.memref_slice %arg7[%add3A_14, %dma_wait3A] : memref<10000x128xf32, #tpu.memory_space<vmem_shared>> -> memref<128x128xf32, #tpu.memory_space<vmem_shared>>
      %dma_wait3A_41 = arith.constant 0 : i32
      %dma_wait3A_42 = tpu.memref_slice %arg7[%add3A_14, %dma_wait3A_41] : memref<10000x128xf32, #tpu.memory_space<vmem_shared>> -> memref<128x128xf32, #tpu.memory_space<vmem_shared>>
      tpu.wait_dma2 semaphore(%run_scoped3A : memref<!tpu.dma_semaphore, #tpu.memory_space<semaphore_mem>>) src(%arg9 : memref<128x128xf32, #tpu.memory_space<vmem>>) dst(%dma_wait3A_42 : memref<128x128xf32, #tpu.memory_space<vmem_shared>>)
      tpu.yield
    }) : () -> ()
    %add3A_15 = arith.constant 384 : i32
    %add3A_16 = arith.addi %mul3A_8, %add3A_15 : i32
    "tpu.region"() ({
      %run_scoped3A = tpu.sem_alloc : memref<!tpu.dma_semaphore, #tpu.memory_space<semaphore_mem>>
      %dma_start3A = arith.constant 0 : i32
      %dma_start3A_37 = tpu.memref_slice %arg7[%add3A_16, %dma_start3A] : memref<10000x128xf32, #tpu.memory_space<vmem_shared>> -> memref<128x128xf32, #tpu.memory_space<vmem_shared>>
      %dma_start3A_38 = arith.constant 0 : i32
      %dma_start3A_39 = tpu.memref_slice %arg7[%add3A_16, %dma_start3A_38] : memref<10000x128xf32, #tpu.memory_space<vmem_shared>> -> memref<128x128xf32, #tpu.memory_space<vmem_shared>>
      tpu.enqueue_dma source(%arg9 : memref<128x128xf32, #tpu.memory_space<vmem>>) target(%dma_start3A_39 : memref<128x128xf32, #tpu.memory_space<vmem_shared>>) target_semaphore(%run_scoped3A : memref<!tpu.dma_semaphore, #tpu.memory_space<semaphore_mem>>)
      %dma_wait3A = arith.constant 0 : i32
      %dma_wait3A_40 = tpu.memref_slice %arg7[%add3A_16, %dma_wait3A] : memref<10000x128xf32, #tpu.memory_space<vmem_shared>> -> memref<128x128xf32, #tpu.memory_space<vmem_shared>>
      %dma_wait3A_41 = arith.constant 0 : i32
      %dma_wait3A_42 = tpu.memref_slice %arg7[%add3A_16, %dma_wait3A_41] : memref<10000x128xf32, #tpu.memory_space<vmem_shared>> -> memref<128x128xf32, #tpu.memory_space<vmem_shared>>
      tpu.wait_dma2 semaphore(%run_scoped3A : memref<!tpu.dma_semaphore, #tpu.memory_space<semaphore_mem>>) src(%arg9 : memref<128x128xf32, #tpu.memory_space<vmem>>) dst(%dma_wait3A_42 : memref<128x128xf32, #tpu.memory_space<vmem_shared>>)
      tpu.yield
    }) : () -> ()
    %add3A_17 = arith.constant 512 : i32
    %add3A_18 = arith.addi %mul3A_8, %add3A_17 : i32
    "tpu.region"() ({
      %run_scoped3A = tpu.sem_alloc : memref<!tpu.dma_semaphore, #tpu.memory_space<semaphore_mem>>
      %dma_start3A = arith.constant 0 : i32
      %dma_start3A_37 = arith.constant 0 : i32
      %dma_start3A_38 = tpu.memref_slice %arg9[%dma_start3A, %dma_start3A_37] : memref<128x128xf32, #tpu.memory_space<vmem>> -> memref<112x128xf32, #tpu.memory_space<vmem>>
      %dma_start3A_39 = arith.constant 0 : i32
      %dma_start3A_40 = tpu.memref_slice %arg7[%add3A_18, %dma_start3A_39] : memref<10000x128xf32, #tpu.memory_space<vmem_shared>> -> memref<112x128xf32, #tpu.memory_space<vmem_shared>>
      %dma_start3A_41 = arith.constant 0 : i32
      %dma_start3A_42 = tpu.memref_slice %arg7[%add3A_18, %dma_start3A_41] : memref<10000x128xf32, #tpu.memory_space<vmem_shared>> -> memref<112x128xf32, #tpu.memory_space<vmem_shared>>
      %dma_start3A_43 = arith.constant 0 : i32
      %dma_start3A_44 = arith.constant 0 : i32
      %dma_start3A_45 = tpu.memref_slice %arg9[%dma_start3A_43, %dma_start3A_44] : memref<128x128xf32, #tpu.memory_space<vmem>> -> memref<112x128xf32, #tpu.memory_space<vmem>>
      tpu.enqueue_dma source(%dma_start3A_45 : memref<112x128xf32, #tpu.memory_space<vmem>>) target(%dma_start3A_42 : memref<112x128xf32, #tpu.memory_space<vmem_shared>>) target_semaphore(%run_scoped3A : memref<!tpu.dma_semaphore, #tpu.memory_space<semaphore_mem>>)
      %dma_wait3A = arith.constant 0 : i32
      %dma_wait3A_46 = arith.constant 0 : i32
      %dma_wait3A_47 = tpu.memref_slice %arg9[%dma_wait3A, %dma_wait3A_46] : memref<128x128xf32, #tpu.memory_space<vmem>> -> memref<112x128xf32, #tpu.memory_space<vmem>>
      %dma_wait3A_48 = arith.constant 0 : i32
      %dma_wait3A_49 = tpu.memref_slice %arg7[%add3A_18, %dma_wait3A_48] : memref<10000x128xf32, #tpu.memory_space<vmem_shared>> -> memref<112x128xf32, #tpu.memory_space<vmem_shared>>
      %dma_wait3A_50 = arith.constant 0 : i32
      %dma_wait3A_51 = tpu.memref_slice %arg7[%add3A_18, %dma_wait3A_50] : memref<10000x128xf32, #tpu.memory_space<vmem_shared>> -> memref<112x128xf32, #tpu.memory_space<vmem_shared>>
      %dma_wait3A_52 = arith.constant 0 : i32
      %dma_wait3A_53 = arith.constant 0 : i32
      %dma_wait3A_54 = tpu.memref_slice %arg9[%dma_wait3A_52, %dma_wait3A_53] : memref<128x128xf32, #tpu.memory_space<vmem>> -> memref<112x128xf32, #tpu.memory_space<vmem>>
      tpu.wait_dma2 semaphore(%run_scoped3A : memref<!tpu.dma_semaphore, #tpu.memory_space<semaphore_mem>>) src(%dma_wait3A_54 : memref<112x128xf32, #tpu.memory_space<vmem>>) dst(%dma_wait3A_51 : memref<112x128xf32, #tpu.memory_space<vmem_shared>>)
      tpu.yield
    }) : () -> ()
    %eq3A = arith.constant 15 : i32
    %eq3A_19 = arith.cmpi eq, %arg1, %eq3A : i32
    %convert_element_type3A = arith.extui %eq3A_19 : i1 to i32
    %cond3A = arith.constant 0 : i32
    %cond3A_20 = arith.cmpi ne, %convert_element_type3A, %cond3A : i32
    scf.if %cond3A_20 {
      "tpu.region"() ({
        %run_scoped3A = tpu.sem_alloc : memref<!tpu.dma_semaphore, #tpu.memory_space<semaphore_mem>>
        %dma_start3A = arith.constant 0 : i32
        %dma_start3A_37 = arith.constant 0 : i32
        %dma_start3A_38 = tpu.memref_slice %arg9[%dma_start3A, %dma_start3A_37] : memref<128x128xf32, #tpu.memory_space<vmem>> -> memref<16x128xf32, #tpu.memory_space<vmem>>
        %dma_start3A_39 = arith.constant 9984 : i32
        %dma_start3A_40 = arith.constant 0 : i32
        %dma_start3A_41 = tpu.memref_slice %arg7[%dma_start3A_39, %dma_start3A_40] : memref<10000x128xf32, #tpu.memory_space<vmem_shared>> -> memref<16x128xf32, #tpu.memory_space<vmem_shared>>
        %dma_start3A_42 = arith.constant 9984 : i32
        %dma_start3A_43 = arith.constant 0 : i32
        %dma_start3A_44 = tpu.memref_slice %arg7[%dma_start3A_42, %dma_start3A_43] : memref<10000x128xf32, #tpu.memory_space<vmem_shared>> -> memref<16x128xf32, #tpu.memory_space<vmem_shared>>
        %dma_start3A_45 = arith.constant 0 : i32
        %dma_start3A_46 = arith.constant 0 : i32
        %dma_start3A_47 = tpu.memref_slice %arg9[%dma_start3A_45, %dma_start3A_46] : memref<128x128xf32, #tpu.memory_space<vmem>> -> memref<16x128xf32, #tpu.memory_space<vmem>>
        tpu.enqueue_dma source(%dma_start3A_47 : memref<16x128xf32, #tpu.memory_space<vmem>>) target(%dma_start3A_44 : memref<16x128xf32, #tpu.memory_space<vmem_shared>>) target_semaphore(%run_scoped3A : memref<!tpu.dma_semaphore, #tpu.memory_space<semaphore_mem>>)
        %dma_wait3A = arith.constant 0 : i32
        %dma_wait3A_48 = arith.constant 0 : i32
        %dma_wait3A_49 = tpu.memref_slice %arg9[%dma_wait3A, %dma_wait3A_48] : memref<128x128xf32, #tpu.memory_space<vmem>> -> memref<16x128xf32, #tpu.memory_space<vmem>>
        %dma_wait3A_50 = arith.constant 9984 : i32
        %dma_wait3A_51 = arith.constant 0 : i32
        %dma_wait3A_52 = tpu.memref_slice %arg7[%dma_wait3A_50, %dma_wait3A_51] : memref<10000x128xf32, #tpu.memory_space<vmem_shared>> -> memref<16x128xf32, #tpu.memory_space<vmem_shared>>
        %dma_wait3A_53 = arith.constant 9984 : i32
        %dma_wait3A_54 = arith.constant 0 : i32
        %dma_wait3A_55 = tpu.memref_slice %arg7[%dma_wait3A_53, %dma_wait3A_54] : memref<10000x128xf32, #tpu.memory_space<vmem_shared>> -> memref<16x128xf32, #tpu.memory_space<vmem_shared>>
        %dma_wait3A_56 = arith.constant 0 : i32
        %dma_wait3A_57 = arith.constant 0 : i32
        %dma_wait3A_58 = tpu.memref_slice %arg9[%dma_wait3A_56, %dma_wait3A_57] : memref<128x128xf32, #tpu.memory_space<vmem>> -> memref<16x128xf32, #tpu.memory_space<vmem>>
        tpu.wait_dma2 semaphore(%run_scoped3A : memref<!tpu.dma_semaphore, #tpu.memory_space<semaphore_mem>>) src(%dma_wait3A_58 : memref<16x128xf32, #tpu.memory_space<vmem>>) dst(%dma_wait3A_55 : memref<16x128xf32, #tpu.memory_space<vmem_shared>>)
        tpu.yield
      }) : () -> ()
    } else {
    }
    %barrier3A = arith.constant 0 : index
    tpu.barrier barrier_id(%barrier3A)
    %scan3A_21 = arith.constant 0 : i32
    %scan3A_22 = arith.constant 0 : i32
    %scan3A_23 = arith.constant 78 : i32
    %scan3A_24 = arith.addi %scan3A_22, %scan3A_23 : i32
    %scan3A_25 = arith.constant 1 : i32
    scf.for %scan3A_37 = %scan3A_22 to %scan3A_24 step %scan3A_25  : i32 {
      %mul3A_38 = arith.constant 32 : i32
      %mul3A_39 = arith.muli %scan3A_37, %mul3A_38 : i32
      %add3A_40 = arith.addi %mul3A_39, %add3A : i32
      %mul3A_41 = arith.constant 128 : i32
      %mul3A_42 = arith.muli %add3A_40, %mul3A_41 : i32
      "tpu.region"() ({
        %run_scoped3A = tpu.sem_alloc : memref<!tpu.dma_semaphore, #tpu.memory_space<semaphore_mem>>
        %dma_start3A_53 = tpu.memref_slice %arg3[%mul3A_42] : memref<320000xi32, #tpu.memory_space<hbm>> -> memref<128xi32, #tpu.memory_space<hbm>>
        %dma_start3A_54 = tpu.memref_slice %arg3[%mul3A_42] : memref<320000xi32, #tpu.memory_space<hbm>> -> memref<128xi32, #tpu.memory_space<hbm>>
        tpu.enqueue_dma source(%dma_start3A_54 : memref<128xi32, #tpu.memory_space<hbm>>) target(%arg10 : memref<128xi32, #tpu.memory_space<vmem>>) target_semaphore(%run_scoped3A : memref<!tpu.dma_semaphore, #tpu.memory_space<semaphore_mem>>)
        %dma_wait3A_55 = tpu.memref_slice %arg3[%mul3A_42] : memref<320000xi32, #tpu.memory_space<hbm>> -> memref<128xi32, #tpu.memory_space<hbm>>
        %dma_wait3A_56 = tpu.memref_slice %arg3[%mul3A_42] : memref<320000xi32, #tpu.memory_space<hbm>> -> memref<128xi32, #tpu.memory_space<hbm>>
        tpu.wait_dma2 semaphore(%run_scoped3A : memref<!tpu.dma_semaphore, #tpu.memory_space<semaphore_mem>>) src(%dma_wait3A_56 : memref<128xi32, #tpu.memory_space<hbm>>) dst(%arg10 : memref<128xi32, #tpu.memory_space<vmem>>)
        tpu.yield
      }) : () -> ()
      "tpu.region"() ({
        %run_scoped3A = tpu.sem_alloc : memref<!tpu.dma_semaphore, #tpu.memory_space<semaphore_mem>>
        %dma_start3A_53 = tpu.memref_slice %arg4[%mul3A_42] : memref<320000xi32, #tpu.memory_space<hbm>> -> memref<128xi32, #tpu.memory_space<hbm>>
        %dma_start3A_54 = tpu.memref_slice %arg4[%mul3A_42] : memref<320000xi32, #tpu.memory_space<hbm>> -> memref<128xi32, #tpu.memory_space<hbm>>
        tpu.enqueue_dma source(%dma_start3A_54 : memref<128xi32, #tpu.memory_space<hbm>>) target(%arg11 : memref<128xi32, #tpu.memory_space<vmem>>) target_semaphore(%run_scoped3A : memref<!tpu.dma_semaphore, #tpu.memory_space<semaphore_mem>>)
        %dma_wait3A_55 = tpu.memref_slice %arg4[%mul3A_42] : memref<320000xi32, #tpu.memory_space<hbm>> -> memref<128xi32, #tpu.memory_space<hbm>>
        %dma_wait3A_56 = tpu.memref_slice %arg4[%mul3A_42] : memref<320000xi32, #tpu.memory_space<hbm>> -> memref<128xi32, #tpu.memory_space<hbm>>
        tpu.wait_dma2 semaphore(%run_scoped3A : memref<!tpu.dma_semaphore, #tpu.memory_space<semaphore_mem>>) src(%dma_wait3A_56 : memref<128xi32, #tpu.memory_space<hbm>>) dst(%arg11 : memref<128xi32, #tpu.memory_space<vmem>>)
        tpu.yield
      }) : () -> ()
      "tpu.region"() ({
        %run_scoped3A = tpu.sem_alloc : memref<!tpu.dma_semaphore, #tpu.memory_space<semaphore_mem>>
        %dma_start3A_53 = arith.constant 0 : i32
        %dma_start3A_54 = tpu.memref_slice %arg5[%mul3A_42, %dma_start3A_53] : memref<320000x128xf32, #tpu.memory_space<hbm>> -> memref<128x128xf32, #tpu.memory_space<hbm>>
        %dma_start3A_55 = arith.constant 0 : i32
        %dma_start3A_56 = tpu.memref_slice %arg5[%mul3A_42, %dma_start3A_55] : memref<320000x128xf32, #tpu.memory_space<hbm>> -> memref<128x128xf32, #tpu.memory_space<hbm>>
        tpu.enqueue_dma source(%dma_start3A_56 : memref<128x128xf32, #tpu.memory_space<hbm>>) target(%arg8 : memref<128x128xf32, #tpu.memory_space<vmem>>) target_semaphore(%run_scoped3A : memref<!tpu.dma_semaphore, #tpu.memory_space<semaphore_mem>>)
        %dma_wait3A_57 = arith.constant 0 : i32
        %dma_wait3A_58 = tpu.memref_slice %arg5[%mul3A_42, %dma_wait3A_57] : memref<320000x128xf32, #tpu.memory_space<hbm>> -> memref<128x128xf32, #tpu.memory_space<hbm>>
        %dma_wait3A_59 = arith.constant 0 : i32
        %dma_wait3A_60 = tpu.memref_slice %arg5[%mul3A_42, %dma_wait3A_59] : memref<320000x128xf32, #tpu.memory_space<hbm>> -> memref<128x128xf32, #tpu.memory_space<hbm>>
        tpu.wait_dma2 semaphore(%run_scoped3A : memref<!tpu.dma_semaphore, #tpu.memory_space<semaphore_mem>>) src(%dma_wait3A_60 : memref<128x128xf32, #tpu.memory_space<hbm>>) dst(%arg8 : memref<128x128xf32, #tpu.memory_space<vmem>>)
        tpu.yield
      }) : () -> ()
      %dma_start3A = arith.constant 0 : i32
      %dma_start3A_43 = arith.constant 0 : i32
      %dma_start3A_44 = tpu.memref_slice %arg2[%dma_start3A, %dma_start3A_43] : memref<10000x128xf32, #tpu.memory_space<hbm>> -> memref<10000x128xf32, #tpu.memory_space<hbm>>
      tpu.enqueue_indirect_dma source(%dma_start3A_44 : memref<10000x128xf32, #tpu.memory_space<hbm>>) target(%arg9 : memref<128x128xf32, #tpu.memory_space<vmem>>) offsets(%arg10 : memref<128xi32, #tpu.memory_space<vmem>>) semaphore(%arg12 : memref<!tpu.dma_semaphore, #tpu.memory_space<semaphore_mem>>)
      %dma_wait3A = arith.constant 0 : i32
      %dma_wait3A_45 = arith.constant 0 : i32
      %dma_wait3A_46 = tpu.memref_slice %arg2[%dma_wait3A, %dma_wait3A_45] : memref<10000x128xf32, #tpu.memory_space<hbm>> -> memref<10000x128xf32, #tpu.memory_space<hbm>>
      tpu.wait_indirect_dma semaphore(%arg12 : memref<!tpu.dma_semaphore, #tpu.memory_space<semaphore_mem>>) src(%dma_wait3A_46 : memref<10000x128xf32, #tpu.memory_space<hbm>>) dst(%arg9 : memref<128x128xf32, #tpu.memory_space<vmem>>)
      %scan3A_47 = arith.constant 0 : i32
      %scan3A_48 = arith.constant 0 : i32
      %scan3A_49 = arith.constant 128 : i32
      %scan3A_50 = arith.addi %scan3A_48, %scan3A_49 : i32
      %scan3A_51 = arith.constant 1 : i32
      scf.for %scan3A_53 = %scan3A_48 to %scan3A_50 step %scan3A_51  : i32 {
        %get3A = arith.index_cast %scan3A_53 : i32 to index
        %get3A_54 = arith.constant 0 : index
        %get3A_55 = tpu.vector_load %arg8[%get3A, %get3A_54] {strides = array<i32>} : memref<128x128xf32, #tpu.memory_space<vmem>>, vector<1x16xf32>,
        %get3A_56 = vector.shape_cast %get3A_55 : vector<1x16xf32> to vector<16xf32>
        %get3A_57 = arith.index_cast %scan3A_53 : i32 to index
        %get3A_58 = arith.constant 0 : index
        %get3A_59 = tpu.vector_load %arg9[%get3A_57, %get3A_58] {strides = array<i32>} : memref<128x128xf32, #tpu.memory_space<vmem>>, vector<1x16xf32>,
        %get3A_60 = vector.shape_cast %get3A_59 : vector<1x16xf32> to vector<16xf32>
        %add3A_61 = arith.addf %get3A_56, %get3A_60 : vector<16xf32>
        %max3A = arith.constant 0.000000e+00 : f32
        %max3A_62 = vector.broadcast %max3A : f32 to vector<16xf32>
        %max3A_63 = arith.maximumf %add3A_61, %max3A_62 : vector<16xf32>
        %swap3A = arith.index_cast %scan3A_53 : i32 to index
        %swap3A_64 = arith.constant 0 : index
        %swap3A_65 = tpu.vector_load %arg8[%swap3A, %swap3A_64] {strides = array<i32>} : memref<128x128xf32, #tpu.memory_space<vmem>>, vector<1x16xf32>,
        %swap3A_66 = vector.shape_cast %swap3A_65 : vector<1x16xf32> to vector<16xf32>
        %swap3A_67 = vector.shape_cast %max3A_63 : vector<16xf32> to vector<1x16xf32>
        tpu.vector_store %arg8[%swap3A, %swap3A_64], %swap3A_67 {strides = array<i32>} : memref<128x128xf32, #tpu.memory_space<vmem>>, vector<1x16xf32>,
        %get3A_68 = arith.index_cast %scan3A_53 : i32 to index
        %get3A_69 = arith.constant 16 : index
        %get3A_70 = tpu.vector_load %arg8[%get3A_68, %get3A_69] {strides = array<i32>} : memref<128x128xf32, #tpu.memory_space<vmem>>, vector<1x16xf32>,
        %get3A_71 = vector.shape_cast %get3A_70 : vector<1x16xf32> to vector<16xf32>
        %get3A_72 = arith.index_cast %scan3A_53 : i32 to index
        %get3A_73 = arith.constant 16 : index
        %get3A_74 = tpu.vector_load %arg9[%get3A_72, %get3A_73] {strides = array<i32>} : memref<128x128xf32, #tpu.memory_space<vmem>>, vector<1x16xf32>,
        %get3A_75 = vector.shape_cast %get3A_74 : vector<1x16xf32> to vector<16xf32>
        %add3A_76 = arith.addf %get3A_71, %get3A_75 : vector<16xf32>
        %max3A_77 = arith.constant 0.000000e+00 : f32
        %max3A_78 = vector.broadcast %max3A_77 : f32 to vector<16xf32>
        %max3A_79 = arith.maximumf %add3A_76, %max3A_78 : vector<16xf32>
        %swap3A_80 = arith.index_cast %scan3A_53 : i32 to index
        %swap3A_81 = arith.constant 16 : index
        %swap3A_82 = tpu.vector_load %arg8[%swap3A_80, %swap3A_81] {strides = array<i32>} : memref<128x128xf32, #tpu.memory_space<vmem>>, vector<1x16xf32>,
        %swap3A_83 = vector.shape_cast %swap3A_82 : vector<1x16xf32> to vector<16xf32>
        %swap3A_84 = vector.shape_cast %max3A_79 : vector<16xf32> to vector<1x16xf32>
        tpu.vector_store %arg8[%swap3A_80, %swap3A_81], %swap3A_84 {strides = array<i32>} : memref<128x128xf32, #tpu.memory_space<vmem>>, vector<1x16xf32>,
        %get3A_85 = arith.index_cast %scan3A_53 : i32 to index
        %get3A_86 = arith.constant 32 : index
        %get3A_87 = tpu.vector_load %arg8[%get3A_85, %get3A_86] {strides = array<i32>} : memref<128x128xf32, #tpu.memory_space<vmem>>, vector<1x16xf32>,
        %get3A_88 = vector.shape_cast %get3A_87 : vector<1x16xf32> to vector<16xf32>
        %get3A_89 = arith.index_cast %scan3A_53 : i32 to index
        %get3A_90 = arith.constant 32 : index
        %get3A_91 = tpu.vector_load %arg9[%get3A_89, %get3A_90] {strides = array<i32>} : memref<128x128xf32, #tpu.memory_space<vmem>>, vector<1x16xf32>,
        %get3A_92 = vector.shape_cast %get3A_91 : vector<1x16xf32> to vector<16xf32>
        %add3A_93 = arith.addf %get3A_88, %get3A_92 : vector<16xf32>
        %max3A_94 = arith.constant 0.000000e+00 : f32
        %max3A_95 = vector.broadcast %max3A_94 : f32 to vector<16xf32>
        %max3A_96 = arith.maximumf %add3A_93, %max3A_95 : vector<16xf32>
        %swap3A_97 = arith.index_cast %scan3A_53 : i32 to index
        %swap3A_98 = arith.constant 32 : index
        %swap3A_99 = tpu.vector_load %arg8[%swap3A_97, %swap3A_98] {strides = array<i32>} : memref<128x128xf32, #tpu.memory_space<vmem>>, vector<1x16xf32>,
        %swap3A_100 = vector.shape_cast %swap3A_99 : vector<1x16xf32> to vector<16xf32>
        %swap3A_101 = vector.shape_cast %max3A_96 : vector<16xf32> to vector<1x16xf32>
        tpu.vector_store %arg8[%swap3A_97, %swap3A_98], %swap3A_101 {strides = array<i32>} : memref<128x128xf32, #tpu.memory_space<vmem>>, vector<1x16xf32>,
        %get3A_102 = arith.index_cast %scan3A_53 : i32 to index
        %get3A_103 = arith.constant 48 : index
        %get3A_104 = tpu.vector_load %arg8[%get3A_102, %get3A_103] {strides = array<i32>} : memref<128x128xf32, #tpu.memory_space<vmem>>, vector<1x16xf32>,
        %get3A_105 = vector.shape_cast %get3A_104 : vector<1x16xf32> to vector<16xf32>
        %get3A_106 = arith.index_cast %scan3A_53 : i32 to index
        %get3A_107 = arith.constant 48 : index
        %get3A_108 = tpu.vector_load %arg9[%get3A_106, %get3A_107] {strides = array<i32>} : memref<128x128xf32, #tpu.memory_space<vmem>>, vector<1x16xf32>,
        %get3A_109 = vector.shape_cast %get3A_108 : vector<1x16xf32> to vector<16xf32>
        %add3A_110 = arith.addf %get3A_105, %get3A_109 : vector<16xf32>
        %max3A_111 = arith.constant 0.000000e+00 : f32
        %max3A_112 = vector.broadcast %max3A_111 : f32 to vector<16xf32>
        %max3A_113 = arith.maximumf %add3A_110, %max3A_112 : vector<16xf32>
        %swap3A_114 = arith.index_cast %scan3A_53 : i32 to index
        %swap3A_115 = arith.constant 48 : index
        %swap3A_116 = tpu.vector_load %arg8[%swap3A_114, %swap3A_115] {strides = array<i32>} : memref<128x128xf32, #tpu.memory_space<vmem>>, vector<1x16xf32>,
        %swap3A_117 = vector.shape_cast %swap3A_116 : vector<1x16xf32> to vector<16xf32>
        %swap3A_118 = vector.shape_cast %max3A_113 : vector<16xf32> to vector<1x16xf32>
        tpu.vector_store %arg8[%swap3A_114, %swap3A_115], %swap3A_118 {strides = array<i32>} : memref<128x128xf32, #tpu.memory_space<vmem>>, vector<1x16xf32>,
        %get3A_119 = arith.index_cast %scan3A_53 : i32 to index
        %get3A_120 = arith.constant 64 : index
        %get3A_121 = tpu.vector_load %arg8[%get3A_119, %get3A_120] {strides = array<i32>} : memref<128x128xf32, #tpu.memory_space<vmem>>, vector<1x16xf32>,
        %get3A_122 = vector.shape_cast %get3A_121 : vector<1x16xf32> to vector<16xf32>
        %get3A_123 = arith.index_cast %scan3A_53 : i32 to index
        %get3A_124 = arith.constant 64 : index
        %get3A_125 = tpu.vector_load %arg9[%get3A_123, %get3A_124] {strides = array<i32>} : memref<128x128xf32, #tpu.memory_space<vmem>>, vector<1x16xf32>,
        %get3A_126 = vector.shape_cast %get3A_125 : vector<1x16xf32> to vector<16xf32>
        %add3A_127 = arith.addf %get3A_122, %get3A_126 : vector<16xf32>
        %max3A_128 = arith.constant 0.000000e+00 : f32
        %max3A_129 = vector.broadcast %max3A_128 : f32 to vector<16xf32>
        %max3A_130 = arith.maximumf %add3A_127, %max3A_129 : vector<16xf32>
        %swap3A_131 = arith.index_cast %scan3A_53 : i32 to index
        %swap3A_132 = arith.constant 64 : index
        %swap3A_133 = tpu.vector_load %arg8[%swap3A_131, %swap3A_132] {strides = array<i32>} : memref<128x128xf32, #tpu.memory_space<vmem>>, vector<1x16xf32>,
        %swap3A_134 = vector.shape_cast %swap3A_133 : vector<1x16xf32> to vector<16xf32>
        %swap3A_135 = vector.shape_cast %max3A_130 : vector<16xf32> to vector<1x16xf32>
        tpu.vector_store %arg8[%swap3A_131, %swap3A_132], %swap3A_135 {strides = array<i32>} : memref<128x128xf32, #tpu.memory_space<vmem>>, vector<1x16xf32>,
        %get3A_136 = arith.index_cast %scan3A_53 : i32 to index
        %get3A_137 = arith.constant 80 : index
        %get3A_138 = tpu.vector_load %arg8[%get3A_136, %get3A_137] {strides = array<i32>} : memref<128x128xf32, #tpu.memory_space<vmem>>, vector<1x16xf32>,
        %get3A_139 = vector.shape_cast %get3A_138 : vector<1x16xf32> to vector<16xf32>
        %get3A_140 = arith.index_cast %scan3A_53 : i32 to index
        %get3A_141 = arith.constant 80 : index
        %get3A_142 = tpu.vector_load %arg9[%get3A_140, %get3A_141] {strides = array<i32>} : memref<128x128xf32, #tpu.memory_space<vmem>>, vector<1x16xf32>,
        %get3A_143 = vector.shape_cast %get3A_142 : vector<1x16xf32> to vector<16xf32>
        %add3A_144 = arith.addf %get3A_139, %get3A_143 : vector<16xf32>
        %max3A_145 = arith.constant 0.000000e+00 : f32
        %max3A_146 = vector.broadcast %max3A_145 : f32 to vector<16xf32>
        %max3A_147 = arith.maximumf %add3A_144, %max3A_146 : vector<16xf32>
        %swap3A_148 = arith.index_cast %scan3A_53 : i32 to index
        %swap3A_149 = arith.constant 80 : index
        %swap3A_150 = tpu.vector_load %arg8[%swap3A_148, %swap3A_149] {strides = array<i32>} : memref<128x128xf32, #tpu.memory_space<vmem>>, vector<1x16xf32>,
        %swap3A_151 = vector.shape_cast %swap3A_150 : vector<1x16xf32> to vector<16xf32>
        %swap3A_152 = vector.shape_cast %max3A_147 : vector<16xf32> to vector<1x16xf32>
        tpu.vector_store %arg8[%swap3A_148, %swap3A_149], %swap3A_152 {strides = array<i32>} : memref<128x128xf32, #tpu.memory_space<vmem>>, vector<1x16xf32>,
        %get3A_153 = arith.index_cast %scan3A_53 : i32 to index
        %get3A_154 = arith.constant 96 : index
        %get3A_155 = tpu.vector_load %arg8[%get3A_153, %get3A_154] {strides = array<i32>} : memref<128x128xf32, #tpu.memory_space<vmem>>, vector<1x16xf32>,
        %get3A_156 = vector.shape_cast %get3A_155 : vector<1x16xf32> to vector<16xf32>
        %get3A_157 = arith.index_cast %scan3A_53 : i32 to index
        %get3A_158 = arith.constant 96 : index
        %get3A_159 = tpu.vector_load %arg9[%get3A_157, %get3A_158] {strides = array<i32>} : memref<128x128xf32, #tpu.memory_space<vmem>>, vector<1x16xf32>,
        %get3A_160 = vector.shape_cast %get3A_159 : vector<1x16xf32> to vector<16xf32>
        %add3A_161 = arith.addf %get3A_156, %get3A_160 : vector<16xf32>
        %max3A_162 = arith.constant 0.000000e+00 : f32
        %max3A_163 = vector.broadcast %max3A_162 : f32 to vector<16xf32>
        %max3A_164 = arith.maximumf %add3A_161, %max3A_163 : vector<16xf32>
        %swap3A_165 = arith.index_cast %scan3A_53 : i32 to index
        %swap3A_166 = arith.constant 96 : index
        %swap3A_167 = tpu.vector_load %arg8[%swap3A_165, %swap3A_166] {strides = array<i32>} : memref<128x128xf32, #tpu.memory_space<vmem>>, vector<1x16xf32>,
        %swap3A_168 = vector.shape_cast %swap3A_167 : vector<1x16xf32> to vector<16xf32>
        %swap3A_169 = vector.shape_cast %max3A_164 : vector<16xf32> to vector<1x16xf32>
        tpu.vector_store %arg8[%swap3A_165, %swap3A_166], %swap3A_169 {strides = array<i32>} : memref<128x128xf32, #tpu.memory_space<vmem>>, vector<1x16xf32>,
        %get3A_170 = arith.index_cast %scan3A_53 : i32 to index
        %get3A_171 = arith.constant 112 : index
        %get3A_172 = tpu.vector_load %arg8[%get3A_170, %get3A_171] {strides = array<i32>} : memref<128x128xf32, #tpu.memory_space<vmem>>, vector<1x16xf32>,
        %get3A_173 = vector.shape_cast %get3A_172 : vector<1x16xf32> to vector<16xf32>
        %get3A_174 = arith.index_cast %scan3A_53 : i32 to index
        %get3A_175 = arith.constant 112 : index
        %get3A_176 = tpu.vector_load %arg9[%get3A_174, %get3A_175] {strides = array<i32>} : memref<128x128xf32, #tpu.memory_space<vmem>>, vector<1x16xf32>,
        %get3A_177 = vector.shape_cast %get3A_176 : vector<1x16xf32> to vector<16xf32>
        %add3A_178 = arith.addf %get3A_173, %get3A_177 : vector<16xf32>
        %max3A_179 = arith.constant 0.000000e+00 : f32
        %max3A_180 = vector.broadcast %max3A_179 : f32 to vector<16xf32>
        %max3A_181 = arith.maximumf %add3A_178, %max3A_180 : vector<16xf32>
        %swap3A_182 = arith.index_cast %scan3A_53 : i32 to index
        %swap3A_183 = arith.constant 112 : index
        %swap3A_184 = tpu.vector_load %arg8[%swap3A_182, %swap3A_183] {strides = array<i32>} : memref<128x128xf32, #tpu.memory_space<vmem>>, vector<1x16xf32>,
        %swap3A_185 = vector.shape_cast %swap3A_184 : vector<1x16xf32> to vector<16xf32>
        %swap3A_186 = vector.shape_cast %max3A_181 : vector<16xf32> to vector<1x16xf32>
        tpu.vector_store %arg8[%swap3A_182, %swap3A_183], %swap3A_186 {strides = array<i32>} : memref<128x128xf32, #tpu.memory_space<vmem>>, vector<1x16xf32>,
      }
      %scan3A_52 = arith.constant 128 : i32
      "tpu.region"() ({
        %run_scoped3A = tpu.sem_alloc : memref<!tpu.dma_semaphore, #tpu.memory_space<semaphore_mem>>
        %dma_start3A_53 = arith.constant 0 : i32
        %dma_start3A_54 = arith.constant 0 : i32
        %dma_start3A_55 = tpu.memref_slice %arg7[%dma_start3A_53, %dma_start3A_54] : memref<10000x128xf32, #tpu.memory_space<vmem_shared>> -> memref<10000x128xf32, #tpu.memory_space<vmem_shared>>
        tpu.enqueue_indirect_dma source(%arg8 : memref<128x128xf32, #tpu.memory_space<vmem>>) target(%dma_start3A_55 : memref<10000x128xf32, #tpu.memory_space<vmem_shared>>) offsets(%arg11 : memref<128xi32, #tpu.memory_space<vmem>>) semaphore(%run_scoped3A : memref<!tpu.dma_semaphore, #tpu.memory_space<semaphore_mem>>) {add = true}
        %dma_wait3A_56 = arith.constant 0 : i32
        %dma_wait3A_57 = arith.constant 0 : i32
        %dma_wait3A_58 = tpu.memref_slice %arg7[%dma_wait3A_56, %dma_wait3A_57] : memref<10000x128xf32, #tpu.memory_space<vmem_shared>> -> memref<10000x128xf32, #tpu.memory_space<vmem_shared>>
        tpu.wait_indirect_dma semaphore(%run_scoped3A : memref<!tpu.dma_semaphore, #tpu.memory_space<semaphore_mem>>) src(%arg8 : memref<128x128xf32, #tpu.memory_space<vmem>>) dst(%dma_wait3A_58 : memref<10000x128xf32, #tpu.memory_space<vmem_shared>>)
        tpu.yield
      }) : () -> ()
    }
    %scan3A_26 = arith.constant 78 : i32
    %lt3A = arith.constant 4 : i32
    %lt3A_27 = arith.cmpi slt, %add3A, %lt3A : i32
    %convert_element_type3A_28 = arith.extui %lt3A_27 : i1 to i32
    %cond3A_29 = arith.constant 0 : i32
    %cond3A_30 = arith.cmpi ne, %convert_element_type3A_28, %cond3A_29 : i32
    scf.if %cond3A_30 {
      %add3A_37 = arith.constant 2496 : i32
      %add3A_38 = arith.addi %add3A_37, %add3A : i32
      %mul3A_39 = arith.constant 128 : i32
      %mul3A_40 = arith.muli %add3A_38, %mul3A_39 : i32
      "tpu.region"() ({
        %run_scoped3A = tpu.sem_alloc : memref<!tpu.dma_semaphore, #tpu.memory_space<semaphore_mem>>
        %dma_start3A_51 = tpu.memref_slice %arg3[%mul3A_40] : memref<320000xi32, #tpu.memory_space<hbm>> -> memref<128xi32, #tpu.memory_space<hbm>>
        %dma_start3A_52 = tpu.memref_slice %arg3[%mul3A_40] : memref<320000xi32, #tpu.memory_space<hbm>> -> memref<128xi32, #tpu.memory_space<hbm>>
        tpu.enqueue_dma source(%dma_start3A_52 : memref<128xi32, #tpu.memory_space<hbm>>) target(%arg10 : memref<128xi32, #tpu.memory_space<vmem>>) target_semaphore(%run_scoped3A : memref<!tpu.dma_semaphore, #tpu.memory_space<semaphore_mem>>)
        %dma_wait3A_53 = tpu.memref_slice %arg3[%mul3A_40] : memref<320000xi32, #tpu.memory_space<hbm>> -> memref<128xi32, #tpu.memory_space<hbm>>
        %dma_wait3A_54 = tpu.memref_slice %arg3[%mul3A_40] : memref<320000xi32, #tpu.memory_space<hbm>> -> memref<128xi32, #tpu.memory_space<hbm>>
        tpu.wait_dma2 semaphore(%run_scoped3A : memref<!tpu.dma_semaphore, #tpu.memory_space<semaphore_mem>>) src(%dma_wait3A_54 : memref<128xi32, #tpu.memory_space<hbm>>) dst(%arg10 : memref<128xi32, #tpu.memory_space<vmem>>)
        tpu.yield
      }) : () -> ()
      "tpu.region"() ({
        %run_scoped3A = tpu.sem_alloc : memref<!tpu.dma_semaphore, #tpu.memory_space<semaphore_mem>>
        %dma_start3A_51 = tpu.memref_slice %arg4[%mul3A_40] : memref<320000xi32, #tpu.memory_space<hbm>> -> memref<128xi32, #tpu.memory_space<hbm>>
        %dma_start3A_52 = tpu.memref_slice %arg4[%mul3A_40] : memref<320000xi32, #tpu.memory_space<hbm>> -> memref<128xi32, #tpu.memory_space<hbm>>
        tpu.enqueue_dma source(%dma_start3A_52 : memref<128xi32, #tpu.memory_space<hbm>>) target(%arg11 : memref<128xi32, #tpu.memory_space<vmem>>) target_semaphore(%run_scoped3A : memref<!tpu.dma_semaphore, #tpu.memory_space<semaphore_mem>>)
        %dma_wait3A_53 = tpu.memref_slice %arg4[%mul3A_40] : memref<320000xi32, #tpu.memory_space<hbm>> -> memref<128xi32, #tpu.memory_space<hbm>>
        %dma_wait3A_54 = tpu.memref_slice %arg4[%mul3A_40] : memref<320000xi32, #tpu.memory_space<hbm>> -> memref<128xi32, #tpu.memory_space<hbm>>
        tpu.wait_dma2 semaphore(%run_scoped3A : memref<!tpu.dma_semaphore, #tpu.memory_space<semaphore_mem>>) src(%dma_wait3A_54 : memref<128xi32, #tpu.memory_space<hbm>>) dst(%arg11 : memref<128xi32, #tpu.memory_space<vmem>>)
        tpu.yield
      }) : () -> ()
      "tpu.region"() ({
        %run_scoped3A = tpu.sem_alloc : memref<!tpu.dma_semaphore, #tpu.memory_space<semaphore_mem>>
        %dma_start3A_51 = arith.constant 0 : i32
        %dma_start3A_52 = tpu.memref_slice %arg5[%mul3A_40, %dma_start3A_51] : memref<320000x128xf32, #tpu.memory_space<hbm>> -> memref<128x128xf32, #tpu.memory_space<hbm>>
        %dma_start3A_53 = arith.constant 0 : i32
        %dma_start3A_54 = tpu.memref_slice %arg5[%mul3A_40, %dma_start3A_53] : memref<320000x128xf32, #tpu.memory_space<hbm>> -> memref<128x128xf32, #tpu.memory_space<hbm>>
        tpu.enqueue_dma source(%dma_start3A_54 : memref<128x128xf32, #tpu.memory_space<hbm>>) target(%arg8 : memref<128x128xf32, #tpu.memory_space<vmem>>) target_semaphore(%run_scoped3A : memref<!tpu.dma_semaphore, #tpu.memory_space<semaphore_mem>>)
        %dma_wait3A_55 = arith.constant 0 : i32
        %dma_wait3A_56 = tpu.memref_slice %arg5[%mul3A_40, %dma_wait3A_55] : memref<320000x128xf32, #tpu.memory_space<hbm>> -> memref<128x128xf32, #tpu.memory_space<hbm>>
        %dma_wait3A_57 = arith.constant 0 : i32
        %dma_wait3A_58 = tpu.memref_slice %arg5[%mul3A_40, %dma_wait3A_57] : memref<320000x128xf32, #tpu.memory_space<hbm>> -> memref<128x128xf32, #tpu.memory_space<hbm>>
        tpu.wait_dma2 semaphore(%run_scoped3A : memref<!tpu.dma_semaphore, #tpu.memory_space<semaphore_mem>>) src(%dma_wait3A_58 : memref<128x128xf32, #tpu.memory_space<hbm>>) dst(%arg8 : memref<128x128xf32, #tpu.memory_space<vmem>>)
        tpu.yield
      }) : () -> ()
      %dma_start3A = arith.constant 0 : i32
      %dma_start3A_41 = arith.constant 0 : i32
      %dma_start3A_42 = tpu.memref_slice %arg2[%dma_start3A, %dma_start3A_41] : memref<10000x128xf32, #tpu.memory_space<hbm>> -> memref<10000x128xf32, #tpu.memory_space<hbm>>
      tpu.enqueue_indirect_dma source(%dma_start3A_42 : memref<10000x128xf32, #tpu.memory_space<hbm>>) target(%arg9 : memref<128x128xf32, #tpu.memory_space<vmem>>) offsets(%arg10 : memref<128xi32, #tpu.memory_space<vmem>>) semaphore(%arg12 : memref<!tpu.dma_semaphore, #tpu.memory_space<semaphore_mem>>)
      %dma_wait3A = arith.constant 0 : i32
      %dma_wait3A_43 = arith.constant 0 : i32
      %dma_wait3A_44 = tpu.memref_slice %arg2[%dma_wait3A, %dma_wait3A_43] : memref<10000x128xf32, #tpu.memory_space<hbm>> -> memref<10000x128xf32, #tpu.memory_space<hbm>>
      tpu.wait_indirect_dma semaphore(%arg12 : memref<!tpu.dma_semaphore, #tpu.memory_space<semaphore_mem>>) src(%dma_wait3A_44 : memref<10000x128xf32, #tpu.memory_space<hbm>>) dst(%arg9 : memref<128x128xf32, #tpu.memory_space<vmem>>)
      %scan3A_45 = arith.constant 0 : i32
      %scan3A_46 = arith.constant 0 : i32
      %scan3A_47 = arith.constant 128 : i32
      %scan3A_48 = arith.addi %scan3A_46, %scan3A_47 : i32
      %scan3A_49 = arith.constant 1 : i32
      scf.for %scan3A_51 = %scan3A_46 to %scan3A_48 step %scan3A_49  : i32 {
        %get3A = arith.index_cast %scan3A_51 : i32 to index
        %get3A_52 = arith.constant 0 : index
        %get3A_53 = tpu.vector_load %arg8[%get3A, %get3A_52] {strides = array<i32>} : memref<128x128xf32, #tpu.memory_space<vmem>>, vector<1x16xf32>,
        %get3A_54 = vector.shape_cast %get3A_53 : vector<1x16xf32> to vector<16xf32>
        %get3A_55 = arith.index_cast %scan3A_51 : i32 to index
        %get3A_56 = arith.constant 0 : index
        %get3A_57 = tpu.vector_load %arg9[%get3A_55, %get3A_56] {strides = array<i32>} : memref<128x128xf32, #tpu.memory_space<vmem>>, vector<1x16xf32>,
        %get3A_58 = vector.shape_cast %get3A_57 : vector<1x16xf32> to vector<16xf32>
        %add3A_59 = arith.addf %get3A_54, %get3A_58 : vector<16xf32>
        %max3A = arith.constant 0.000000e+00 : f32
        %max3A_60 = vector.broadcast %max3A : f32 to vector<16xf32>
        %max3A_61 = arith.maximumf %add3A_59, %max3A_60 : vector<16xf32>
        %swap3A = arith.index_cast %scan3A_51 : i32 to index
        %swap3A_62 = arith.constant 0 : index
        %swap3A_63 = tpu.vector_load %arg8[%swap3A, %swap3A_62] {strides = array<i32>} : memref<128x128xf32, #tpu.memory_space<vmem>>, vector<1x16xf32>,
        %swap3A_64 = vector.shape_cast %swap3A_63 : vector<1x16xf32> to vector<16xf32>
        %swap3A_65 = vector.shape_cast %max3A_61 : vector<16xf32> to vector<1x16xf32>
        tpu.vector_store %arg8[%swap3A, %swap3A_62], %swap3A_65 {strides = array<i32>} : memref<128x128xf32, #tpu.memory_space<vmem>>, vector<1x16xf32>,
        %get3A_66 = arith.index_cast %scan3A_51 : i32 to index
        %get3A_67 = arith.constant 16 : index
        %get3A_68 = tpu.vector_load %arg8[%get3A_66, %get3A_67] {strides = array<i32>} : memref<128x128xf32, #tpu.memory_space<vmem>>, vector<1x16xf32>,
        %get3A_69 = vector.shape_cast %get3A_68 : vector<1x16xf32> to vector<16xf32>
        %get3A_70 = arith.index_cast %scan3A_51 : i32 to index
        %get3A_71 = arith.constant 16 : index
        %get3A_72 = tpu.vector_load %arg9[%get3A_70, %get3A_71] {strides = array<i32>} : memref<128x128xf32, #tpu.memory_space<vmem>>, vector<1x16xf32>,
        %get3A_73 = vector.shape_cast %get3A_72 : vector<1x16xf32> to vector<16xf32>
        %add3A_74 = arith.addf %get3A_69, %get3A_73 : vector<16xf32>
        %max3A_75 = arith.constant 0.000000e+00 : f32
        %max3A_76 = vector.broadcast %max3A_75 : f32 to vector<16xf32>
        %max3A_77 = arith.maximumf %add3A_74, %max3A_76 : vector<16xf32>
        %swap3A_78 = arith.index_cast %scan3A_51 : i32 to index
        %swap3A_79 = arith.constant 16 : index
        %swap3A_80 = tpu.vector_load %arg8[%swap3A_78, %swap3A_79] {strides = array<i32>} : memref<128x128xf32, #tpu.memory_space<vmem>>, vector<1x16xf32>,
        %swap3A_81 = vector.shape_cast %swap3A_80 : vector<1x16xf32> to vector<16xf32>
        %swap3A_82 = vector.shape_cast %max3A_77 : vector<16xf32> to vector<1x16xf32>
        tpu.vector_store %arg8[%swap3A_78, %swap3A_79], %swap3A_82 {strides = array<i32>} : memref<128x128xf32, #tpu.memory_space<vmem>>, vector<1x16xf32>,
        %get3A_83 = arith.index_cast %scan3A_51 : i32 to index
        %get3A_84 = arith.constant 32 : index
        %get3A_85 = tpu.vector_load %arg8[%get3A_83, %get3A_84] {strides = array<i32>} : memref<128x128xf32, #tpu.memory_space<vmem>>, vector<1x16xf32>,
        %get3A_86 = vector.shape_cast %get3A_85 : vector<1x16xf32> to vector<16xf32>
        %get3A_87 = arith.index_cast %scan3A_51 : i32 to index
        %get3A_88 = arith.constant 32 : index
        %get3A_89 = tpu.vector_load %arg9[%get3A_87, %get3A_88] {strides = array<i32>} : memref<128x128xf32, #tpu.memory_space<vmem>>, vector<1x16xf32>,
        %get3A_90 = vector.shape_cast %get3A_89 : vector<1x16xf32> to vector<16xf32>
        %add3A_91 = arith.addf %get3A_86, %get3A_90 : vector<16xf32>
        %max3A_92 = arith.constant 0.000000e+00 : f32
        %max3A_93 = vector.broadcast %max3A_92 : f32 to vector<16xf32>
        %max3A_94 = arith.maximumf %add3A_91, %max3A_93 : vector<16xf32>
        %swap3A_95 = arith.index_cast %scan3A_51 : i32 to index
        %swap3A_96 = arith.constant 32 : index
        %swap3A_97 = tpu.vector_load %arg8[%swap3A_95, %swap3A_96] {strides = array<i32>} : memref<128x128xf32, #tpu.memory_space<vmem>>, vector<1x16xf32>,
        %swap3A_98 = vector.shape_cast %swap3A_97 : vector<1x16xf32> to vector<16xf32>
        %swap3A_99 = vector.shape_cast %max3A_94 : vector<16xf32> to vector<1x16xf32>
        tpu.vector_store %arg8[%swap3A_95, %swap3A_96], %swap3A_99 {strides = array<i32>} : memref<128x128xf32, #tpu.memory_space<vmem>>, vector<1x16xf32>,
        %get3A_100 = arith.index_cast %scan3A_51 : i32 to index
        %get3A_101 = arith.constant 48 : index
        %get3A_102 = tpu.vector_load %arg8[%get3A_100, %get3A_101] {strides = array<i32>} : memref<128x128xf32, #tpu.memory_space<vmem>>, vector<1x16xf32>,
        %get3A_103 = vector.shape_cast %get3A_102 : vector<1x16xf32> to vector<16xf32>
        %get3A_104 = arith.index_cast %scan3A_51 : i32 to index
        %get3A_105 = arith.constant 48 : index
        %get3A_106 = tpu.vector_load %arg9[%get3A_104, %get3A_105] {strides = array<i32>} : memref<128x128xf32, #tpu.memory_space<vmem>>, vector<1x16xf32>,
        %get3A_107 = vector.shape_cast %get3A_106 : vector<1x16xf32> to vector<16xf32>
        %add3A_108 = arith.addf %get3A_103, %get3A_107 : vector<16xf32>
        %max3A_109 = arith.constant 0.000000e+00 : f32
        %max3A_110 = vector.broadcast %max3A_109 : f32 to vector<16xf32>
        %max3A_111 = arith.maximumf %add3A_108, %max3A_110 : vector<16xf32>
        %swap3A_112 = arith.index_cast %scan3A_51 : i32 to index
        %swap3A_113 = arith.constant 48 : index
        %swap3A_114 = tpu.vector_load %arg8[%swap3A_112, %swap3A_113] {strides = array<i32>} : memref<128x128xf32, #tpu.memory_space<vmem>>, vector<1x16xf32>,
        %swap3A_115 = vector.shape_cast %swap3A_114 : vector<1x16xf32> to vector<16xf32>
        %swap3A_116 = vector.shape_cast %max3A_111 : vector<16xf32> to vector<1x16xf32>
        tpu.vector_store %arg8[%swap3A_112, %swap3A_113], %swap3A_116 {strides = array<i32>} : memref<128x128xf32, #tpu.memory_space<vmem>>, vector<1x16xf32>,
        %get3A_117 = arith.index_cast %scan3A_51 : i32 to index
        %get3A_118 = arith.constant 64 : index
        %get3A_119 = tpu.vector_load %arg8[%get3A_117, %get3A_118] {strides = array<i32>} : memref<128x128xf32, #tpu.memory_space<vmem>>, vector<1x16xf32>,
        %get3A_120 = vector.shape_cast %get3A_119 : vector<1x16xf32> to vector<16xf32>
        %get3A_121 = arith.index_cast %scan3A_51 : i32 to index
        %get3A_122 = arith.constant 64 : index
        %get3A_123 = tpu.vector_load %arg9[%get3A_121, %get3A_122] {strides = array<i32>} : memref<128x128xf32, #tpu.memory_space<vmem>>, vector<1x16xf32>,
        %get3A_124 = vector.shape_cast %get3A_123 : vector<1x16xf32> to vector<16xf32>
        %add3A_125 = arith.addf %get3A_120, %get3A_124 : vector<16xf32>
        %max3A_126 = arith.constant 0.000000e+00 : f32
        %max3A_127 = vector.broadcast %max3A_126 : f32 to vector<16xf32>
        %max3A_128 = arith.maximumf %add3A_125, %max3A_127 : vector<16xf32>
        %swap3A_129 = arith.index_cast %scan3A_51 : i32 to index
        %swap3A_130 = arith.constant 64 : index
        %swap3A_131 = tpu.vector_load %arg8[%swap3A_129, %swap3A_130] {strides = array<i32>} : memref<128x128xf32, #tpu.memory_space<vmem>>, vector<1x16xf32>,
        %swap3A_132 = vector.shape_cast %swap3A_131 : vector<1x16xf32> to vector<16xf32>
        %swap3A_133 = vector.shape_cast %max3A_128 : vector<16xf32> to vector<1x16xf32>
        tpu.vector_store %arg8[%swap3A_129, %swap3A_130], %swap3A_133 {strides = array<i32>} : memref<128x128xf32, #tpu.memory_space<vmem>>, vector<1x16xf32>,
        %get3A_134 = arith.index_cast %scan3A_51 : i32 to index
        %get3A_135 = arith.constant 80 : index
        %get3A_136 = tpu.vector_load %arg8[%get3A_134, %get3A_135] {strides = array<i32>} : memref<128x128xf32, #tpu.memory_space<vmem>>, vector<1x16xf32>,
        %get3A_137 = vector.shape_cast %get3A_136 : vector<1x16xf32> to vector<16xf32>
        %get3A_138 = arith.index_cast %scan3A_51 : i32 to index
        %get3A_139 = arith.constant 80 : index
        %get3A_140 = tpu.vector_load %arg9[%get3A_138, %get3A_139] {strides = array<i32>} : memref<128x128xf32, #tpu.memory_space<vmem>>, vector<1x16xf32>,
        %get3A_141 = vector.shape_cast %get3A_140 : vector<1x16xf32> to vector<16xf32>
        %add3A_142 = arith.addf %get3A_137, %get3A_141 : vector<16xf32>
        %max3A_143 = arith.constant 0.000000e+00 : f32
        %max3A_144 = vector.broadcast %max3A_143 : f32 to vector<16xf32>
        %max3A_145 = arith.maximumf %add3A_142, %max3A_144 : vector<16xf32>
        %swap3A_146 = arith.index_cast %scan3A_51 : i32 to index
        %swap3A_147 = arith.constant 80 : index
        %swap3A_148 = tpu.vector_load %arg8[%swap3A_146, %swap3A_147] {strides = array<i32>} : memref<128x128xf32, #tpu.memory_space<vmem>>, vector<1x16xf32>,
        %swap3A_149 = vector.shape_cast %swap3A_148 : vector<1x16xf32> to vector<16xf32>
        %swap3A_150 = vector.shape_cast %max3A_145 : vector<16xf32> to vector<1x16xf32>
        tpu.vector_store %arg8[%swap3A_146, %swap3A_147], %swap3A_150 {strides = array<i32>} : memref<128x128xf32, #tpu.memory_space<vmem>>, vector<1x16xf32>,
        %get3A_151 = arith.index_cast %scan3A_51 : i32 to index
        %get3A_152 = arith.constant 96 : index
        %get3A_153 = tpu.vector_load %arg8[%get3A_151, %get3A_152] {strides = array<i32>} : memref<128x128xf32, #tpu.memory_space<vmem>>, vector<1x16xf32>,
        %get3A_154 = vector.shape_cast %get3A_153 : vector<1x16xf32> to vector<16xf32>
        %get3A_155 = arith.index_cast %scan3A_51 : i32 to index
        %get3A_156 = arith.constant 96 : index
        %get3A_157 = tpu.vector_load %arg9[%get3A_155, %get3A_156] {strides = array<i32>} : memref<128x128xf32, #tpu.memory_space<vmem>>, vector<1x16xf32>,
        %get3A_158 = vector.shape_cast %get3A_157 : vector<1x16xf32> to vector<16xf32>
        %add3A_159 = arith.addf %get3A_154, %get3A_158 : vector<16xf32>
        %max3A_160 = arith.constant 0.000000e+00 : f32
        %max3A_161 = vector.broadcast %max3A_160 : f32 to vector<16xf32>
        %max3A_162 = arith.maximumf %add3A_159, %max3A_161 : vector<16xf32>
        %swap3A_163 = arith.index_cast %scan3A_51 : i32 to index
        %swap3A_164 = arith.constant 96 : index
        %swap3A_165 = tpu.vector_load %arg8[%swap3A_163, %swap3A_164] {strides = array<i32>} : memref<128x128xf32, #tpu.memory_space<vmem>>, vector<1x16xf32>,
        %swap3A_166 = vector.shape_cast %swap3A_165 : vector<1x16xf32> to vector<16xf32>
        %swap3A_167 = vector.shape_cast %max3A_162 : vector<16xf32> to vector<1x16xf32>
        tpu.vector_store %arg8[%swap3A_163, %swap3A_164], %swap3A_167 {strides = array<i32>} : memref<128x128xf32, #tpu.memory_space<vmem>>, vector<1x16xf32>,
        %get3A_168 = arith.index_cast %scan3A_51 : i32 to index
        %get3A_169 = arith.constant 112 : index
        %get3A_170 = tpu.vector_load %arg8[%get3A_168, %get3A_169] {strides = array<i32>} : memref<128x128xf32, #tpu.memory_space<vmem>>, vector<1x16xf32>,
        %get3A_171 = vector.shape_cast %get3A_170 : vector<1x16xf32> to vector<16xf32>
        %get3A_172 = arith.index_cast %scan3A_51 : i32 to index
        %get3A_173 = arith.constant 112 : index
        %get3A_174 = tpu.vector_load %arg9[%get3A_172, %get3A_173] {strides = array<i32>} : memref<128x128xf32, #tpu.memory_space<vmem>>, vector<1x16xf32>,
        %get3A_175 = vector.shape_cast %get3A_174 : vector<1x16xf32> to vector<16xf32>
        %add3A_176 = arith.addf %get3A_171, %get3A_175 : vector<16xf32>
        %max3A_177 = arith.constant 0.000000e+00 : f32
        %max3A_178 = vector.broadcast %max3A_177 : f32 to vector<16xf32>
        %max3A_179 = arith.maximumf %add3A_176, %max3A_178 : vector<16xf32>
        %swap3A_180 = arith.index_cast %scan3A_51 : i32 to index
        %swap3A_181 = arith.constant 112 : index
        %swap3A_182 = tpu.vector_load %arg8[%swap3A_180, %swap3A_181] {strides = array<i32>} : memref<128x128xf32, #tpu.memory_space<vmem>>, vector<1x16xf32>,
        %swap3A_183 = vector.shape_cast %swap3A_182 : vector<1x16xf32> to vector<16xf32>
        %swap3A_184 = vector.shape_cast %max3A_179 : vector<16xf32> to vector<1x16xf32>
        tpu.vector_store %arg8[%swap3A_180, %swap3A_181], %swap3A_184 {strides = array<i32>} : memref<128x128xf32, #tpu.memory_space<vmem>>, vector<1x16xf32>,
      }
      %scan3A_50 = arith.constant 128 : i32
      "tpu.region"() ({
        %run_scoped3A = tpu.sem_alloc : memref<!tpu.dma_semaphore, #tpu.memory_space<semaphore_mem>>
        %dma_start3A_51 = arith.constant 0 : i32
        %dma_start3A_52 = arith.constant 0 : i32
        %dma_start3A_53 = tpu.memref_slice %arg7[%dma_start3A_51, %dma_start3A_52] : memref<10000x128xf32, #tpu.memory_space<vmem_shared>> -> memref<10000x128xf32, #tpu.memory_space<vmem_shared>>
        tpu.enqueue_indirect_dma source(%arg8 : memref<128x128xf32, #tpu.memory_space<vmem>>) target(%dma_start3A_53 : memref<10000x128xf32, #tpu.memory_space<vmem_shared>>) offsets(%arg11 : memref<128xi32, #tpu.memory_space<vmem>>) semaphore(%run_scoped3A : memref<!tpu.dma_semaphore, #tpu.memory_space<semaphore_mem>>) {add = true}
        %dma_wait3A_54 = arith.constant 0 : i32
        %dma_wait3A_55 = arith.constant 0 : i32
        %dma_wait3A_56 = tpu.memref_slice %arg7[%dma_wait3A_54, %dma_wait3A_55] : memref<10000x128xf32, #tpu.memory_space<vmem_shared>> -> memref<10000x128xf32, #tpu.memory_space<vmem_shared>>
        tpu.wait_indirect_dma semaphore(%run_scoped3A : memref<!tpu.dma_semaphore, #tpu.memory_space<semaphore_mem>>) src(%arg8 : memref<128x128xf32, #tpu.memory_space<vmem>>) dst(%dma_wait3A_56 : memref<10000x128xf32, #tpu.memory_space<vmem_shared>>)
        tpu.yield
      }) : () -> ()
    } else {
    }
    %barrier3A_31 = arith.constant 0 : index
    tpu.barrier barrier_id(%barrier3A_31)
    "tpu.region"() ({
      %run_scoped3A = tpu.sem_alloc : memref<!tpu.dma_semaphore, #tpu.memory_space<semaphore_mem>>
      %dma_start3A = arith.constant 0 : i32
      %dma_start3A_37 = tpu.memref_slice %arg6[%arg0, %mul3A_8, %dma_start3A] : memref<2x10000x128xf32, #tpu.memory_space<hbm>> -> memref<1x624x128xf32, #tpu.memory_space<hbm>>
      %dma_start3A_38 = tpu.memref_squeeze %dma_start3A_37 : memref<1x624x128xf32, #tpu.memory_space<hbm>> -> memref<624x128xf32, #tpu.memory_space<hbm>>
      %dma_start3A_39 = arith.constant 0 : i32
      %dma_start3A_40 = tpu.memref_slice %arg7[%mul3A_8, %dma_start3A_39] : memref<10000x128xf32, #tpu.memory_space<vmem_shared>> -> memref<624x128xf32, #tpu.memory_space<vmem_shared>>
      tpu.enqueue_dma source(%dma_start3A_40 : memref<624x128xf32, #tpu.memory_space<vmem_shared>>) target(%dma_start3A_38 : memref<624x128xf32, #tpu.memory_space<hbm>>) target_semaphore(%run_scoped3A : memref<!tpu.dma_semaphore, #tpu.memory_space<semaphore_mem>>)
      %dma_wait3A = arith.constant 0 : i32
      %dma_wait3A_41 = tpu.memref_slice %arg6[%arg0, %mul3A_8, %dma_wait3A] : memref<2x10000x128xf32, #tpu.memory_space<hbm>> -> memref<1x624x128xf32, #tpu.memory_space<hbm>>
      %dma_wait3A_42 = tpu.memref_squeeze %dma_wait3A_41 : memref<1x624x128xf32, #tpu.memory_space<hbm>> -> memref<624x128xf32, #tpu.memory_space<hbm>>
      %dma_wait3A_43 = arith.constant 0 : i32
      %dma_wait3A_44 = tpu.memref_slice %arg7[%mul3A_8, %dma_wait3A_43] : memref<10000x128xf32, #tpu.memory_space<vmem_shared>> -> memref<624x128xf32, #tpu.memory_space<vmem_shared>>
      tpu.wait_dma2 semaphore(%run_scoped3A : memref<!tpu.dma_semaphore, #tpu.memory_space<semaphore_mem>>) src(%dma_wait3A_44 : memref<624x128xf32, #tpu.memory_space<vmem_shared>>) dst(%dma_wait3A_42 : memref<624x128xf32, #tpu.memory_space<hbm>>)
      tpu.yield
    }) : () -> ()
    %eq3A_32 = arith.constant 15 : i32
    %eq3A_33 = arith.cmpi eq, %arg1, %eq3A_32 : i32
    %convert_element_type3A_34 = arith.extui %eq3A_33 : i1 to i32
    %cond3A_35 = arith.constant 0 : i32
    %cond3A_36 = arith.cmpi ne, %convert_element_type3A_34, %cond3A_35 : i32
    scf.if %cond3A_36 {
      "tpu.region"() ({
        %run_scoped3A = tpu.sem_alloc : memref<!tpu.dma_semaphore, #tpu.memory_space<semaphore_mem>>
        %dma_start3A = arith.constant 9984 : i32
        %dma_start3A_37 = arith.constant 0 : i32
        %dma_start3A_38 = tpu.memref_slice %arg6[%arg0, %dma_start3A, %dma_start3A_37] : memref<2x10000x128xf32, #tpu.memory_space<hbm>> -> memref<1x16x128xf32, #tpu.memory_space<hbm>>
        %dma_start3A_39 = tpu.memref_squeeze %dma_start3A_38 : memref<1x16x128xf32, #tpu.memory_space<hbm>> -> memref<16x128xf32, #tpu.memory_space<hbm>>
        %dma_start3A_40 = arith.constant 9984 : i32
        %dma_start3A_41 = arith.constant 0 : i32
        %dma_start3A_42 = tpu.memref_slice %arg7[%dma_start3A_40, %dma_start3A_41] : memref<10000x128xf32, #tpu.memory_space<vmem_shared>> -> memref<16x128xf32, #tpu.memory_space<vmem_shared>>
        tpu.enqueue_dma source(%dma_start3A_42 : memref<16x128xf32, #tpu.memory_space<vmem_shared>>) target(%dma_start3A_39 : memref<16x128xf32, #tpu.memory_space<hbm>>) target_semaphore(%run_scoped3A : memref<!tpu.dma_semaphore, #tpu.memory_space<semaphore_mem>>)
        %dma_wait3A = arith.constant 9984 : i32
        %dma_wait3A_43 = arith.constant 0 : i32
        %dma_wait3A_44 = tpu.memref_slice %arg6[%arg0, %dma_wait3A, %dma_wait3A_43] : memref<2x10000x128xf32, #tpu.memory_space<hbm>> -> memref<1x16x128xf32, #tpu.memory_space<hbm>>
        %dma_wait3A_45 = tpu.memref_squeeze %dma_wait3A_44 : memref<1x16x128xf32, #tpu.memory_space<hbm>> -> memref<16x128xf32, #tpu.memory_space<hbm>>
        %dma_wait3A_46 = arith.constant 9984 : i32
        %dma_wait3A_47 = arith.constant 0 : i32
        %dma_wait3A_48 = tpu.memref_slice %arg7[%dma_wait3A_46, %dma_wait3A_47] : memref<10000x128xf32, #tpu.memory_space<vmem_shared>> -> memref<16x128xf32, #tpu.memory_space<vmem_shared>>
        tpu.wait_dma2 semaphore(%run_scoped3A : memref<!tpu.dma_semaphore, #tpu.memory_space<semaphore_mem>>) src(%dma_wait3A_48 : memref<16x128xf32, #tpu.memory_space<vmem_shared>>) dst(%dma_wait3A_45 : memref<16x128xf32, #tpu.memory_space<hbm>>)
        tpu.yield
      }) : () -> ()
    } else {
    }
    return
  }
}

module attributes {stable_mosaic.version = 14 : i64} {
  func.func @body(%arg0: i32, %arg1: memref<400x128xf32, #tpu.memory_space<vmem>>, %arg2: memref<400x128xf32, #tpu.memory_space<vmem>>, %arg3: memref<400x128xf32, #tpu.memory_space<vmem>>, %arg4: memref<128x128xf32, #tpu.memory_space<vmem>>, %arg5: memref<1x128xf32, #tpu.memory_space<vmem>>, %arg6: memref<128x128xf32, #tpu.memory_space<vmem>>, %arg7: memref<1x128xf32, #tpu.memory_space<vmem>>, %arg8: memref<400x128xf32, #tpu.memory_space<vmem>>) attributes {dimension_semantics = [#tpu.dimension_semantics<arbitrary>], iteration_bounds = array<i64: 25>, scalar_prefetch = 0 : i64, scratch_operands = 0 : i64, tpu.core_type = #tpu.core_type<tc>, window_params = [{transform_indices = @transform_0, window_bounds = array<i64: 400, 128>}, {transform_indices = @transform_1, window_bounds = array<i64: 400, 128>}, {transform_indices = @transform_2, window_bounds = array<i64: 400, 128>}, {pipeline_mode = #tpu.pipeline_mode<synchronous>, transform_indices = @transform_3, window_bounds = array<i64: 128, 128>}, {pipeline_mode = #tpu.pipeline_mode<synchronous>, transform_indices = @transform_4, window_bounds = array<i64: 1, 128>}, {pipeline_mode = #tpu.pipeline_mode<synchronous>, transform_indices = @transform_5, window_bounds = array<i64: 128, 128>}, {pipeline_mode = #tpu.pipeline_mode<synchronous>, transform_indices = @transform_6, window_bounds = array<i64: 1, 128>}, {transform_indices = @transform_7, window_bounds = array<i64: 400, 128>}]} {
    %get3A = arith.constant 0 : index
    %get3A_0 = arith.constant 0 : index
    %get3A_1 = vector.load %arg1[%get3A, %get3A_0] : memref<400x128xf32, #tpu.memory_space<vmem>>, vector<400x128xf32>
    %get3A_2 = arith.constant 0 : index
    %get3A_3 = arith.constant 0 : index
    %get3A_4 = vector.load %arg2[%get3A_2, %get3A_3] : memref<400x128xf32, #tpu.memory_space<vmem>>, vector<400x128xf32>
    %add3A = arith.addf %get3A_1, %get3A_4 : vector<400x128xf32>
    %get3A_5 = arith.constant 0 : index
    %get3A_6 = arith.constant 0 : index
    %get3A_7 = vector.load %arg3[%get3A_5, %get3A_6] : memref<400x128xf32, #tpu.memory_space<vmem>>, vector<400x128xf32>
    %add3A_8 = arith.addf %add3A, %get3A_7 : vector<400x128xf32>
    %get3A_9 = arith.constant 0 : index
    %get3A_10 = arith.constant 0 : index
    %get3A_11 = vector.load %arg4[%get3A_9, %get3A_10] : memref<128x128xf32, #tpu.memory_space<vmem>>, vector<128x128xf32>
    %dot_general3A = arith.constant dense<0.000000e+00> : vector<400x128xf32>
    %dot_general3A_12 = tpu.matmul %add3A_8, %get3A_11, %dot_general3A {dimension_numbers = #tpu.dot_dimension_numbers<[1], [0], [0], [1], [0, 0, 1, 1], [], []>, transpose_lhs_hint = false} : vector<400x128xf32>, vector<128x128xf32>, vector<400x128xf32> -> vector<400x128xf32>
    %get3A_13 = arith.constant 0 : index
    %get3A_14 = arith.constant 0 : index
    %get3A_15 = vector.load %arg5[%get3A_13, %get3A_14] : memref<1x128xf32, #tpu.memory_space<vmem>>, vector<1x128xf32>
    %add3A_16 = vector.broadcast %get3A_15 : vector<1x128xf32> to vector<400x128xf32>
    %add3A_17 = arith.addf %dot_general3A_12, %add3A_16 : vector<400x128xf32>
    %max3A = arith.constant 0.000000e+00 : f32
    %max3A_18 = vector.broadcast %max3A : f32 to vector<400x128xf32>
    %max3A_19 = arith.maximumf %add3A_17, %max3A_18 : vector<400x128xf32>
    %get3A_20 = arith.constant 0 : index
    %get3A_21 = arith.constant 0 : index
    %get3A_22 = vector.load %arg6[%get3A_20, %get3A_21] : memref<128x128xf32, #tpu.memory_space<vmem>>, vector<128x128xf32>
    %dot_general3A_23 = arith.constant dense<0.000000e+00> : vector<400x128xf32>
    %dot_general3A_24 = tpu.matmul %max3A_19, %get3A_22, %dot_general3A_23 {dimension_numbers = #tpu.dot_dimension_numbers<[1], [0], [0], [1], [0, 0, 1, 1], [], []>, transpose_lhs_hint = false} : vector<400x128xf32>, vector<128x128xf32>, vector<400x128xf32> -> vector<400x128xf32>
    %get3A_25 = arith.constant 0 : index
    %get3A_26 = arith.constant 0 : index
    %get3A_27 = vector.load %arg7[%get3A_25, %get3A_26] : memref<1x128xf32, #tpu.memory_space<vmem>>, vector<1x128xf32>
    %add3A_28 = vector.broadcast %get3A_27 : vector<1x128xf32> to vector<400x128xf32>
    %add3A_29 = arith.addf %dot_general3A_24, %add3A_28 : vector<400x128xf32>
    %max3A_30 = arith.constant 0.000000e+00 : f32
    %max3A_31 = vector.broadcast %max3A_30 : f32 to vector<400x128xf32>
    %max3A_32 = arith.maximumf %add3A_29, %max3A_31 : vector<400x128xf32>
    %add3A_33 = arith.addf %get3A_1, %max3A_32 : vector<400x128xf32>
    %swap3A = arith.constant 0 : index
    %swap3A_34 = arith.constant 0 : index
    %swap3A_35 = vector.load %arg8[%swap3A, %swap3A_34] : memref<400x128xf32, #tpu.memory_space<vmem>>, vector<400x128xf32>
    tpu.vector_store %arg8[%swap3A, %swap3A_34], %add3A_33 {strides = array<i32>} : memref<400x128xf32, #tpu.memory_space<vmem>>, vector<400x128xf32>,
    return
  }
  func.func @transform_0(%arg0: i32) -> (i32, i32) {
    %c0_i32 = arith.constant 0 : i32
    %c0_i32_0 = arith.constant 0 : i32
    return %arg0, %c0_i32 : i32, i32
  }
  func.func @transform_1(%arg0: i32) -> (i32, i32) {
    %c0_i32 = arith.constant 0 : i32
    %c0_i32_0 = arith.constant 0 : i32
    return %arg0, %c0_i32 : i32, i32
  }
  func.func @transform_2(%arg0: i32) -> (i32, i32) {
    %c0_i32 = arith.constant 0 : i32
    %c0_i32_0 = arith.constant 0 : i32
    return %arg0, %c0_i32 : i32, i32
  }
  func.func @transform_3(%arg0: i32) -> (i32, i32) {
    %c0_i32 = arith.constant 0 : i32
    %c0_i32_0 = arith.constant 0 : i32
    %c0_i32_1 = arith.constant 0 : i32
    return %c0_i32, %c0_i32_0 : i32, i32
  }
  func.func @transform_4(%arg0: i32) -> (i32, i32) {
    %c0_i32 = arith.constant 0 : i32
    %c0_i32_0 = arith.constant 0 : i32
    %c0_i32_1 = arith.constant 0 : i32
    return %c0_i32, %c0_i32_0 : i32, i32
  }
  func.func @transform_5(%arg0: i32) -> (i32, i32) {
    %c0_i32 = arith.constant 0 : i32
    %c0_i32_0 = arith.constant 0 : i32
    %c0_i32_1 = arith.constant 0 : i32
    return %c0_i32, %c0_i32_0 : i32, i32
  }
  func.func @transform_6(%arg0: i32) -> (i32, i32) {
    %c0_i32 = arith.constant 0 : i32
    %c0_i32_0 = arith.constant 0 : i32
    %c0_i32_1 = arith.constant 0 : i32
    return %c0_i32, %c0_i32_0 : i32, i32
  }
  func.func @transform_7(%arg0: i32) -> (i32, i32) {
    %c0_i32 = arith.constant 0 : i32
    %c0_i32_0 = arith.constant 0 : i32
    return %arg0, %c0_i32 : i32, i32
  }
}

</mosaic_0001>

<sc_bundles>
// kernel: kernel.4.cloned.1.call-start
scs
__scs_entry_jumppad:
0x0: {  	(pc) =	sbr.rel $0x88, $3  }
0x1: {  	(tag) =	ssettag $0x0;
	lr =	simm.s32 $0x1  }
0x2: {  	[smem:$0x3F9A] =	sst lr;
	_ =	strace $0xD0000000  }
0x3: {  	_ = 	snop  }
0x4: {  	_ = 	snop  }
0x5: {  	_ = 	snop  }
0x6: {  	_ = 	snop  }
0x7: {  	_ = 	snop  }
__scs_overlays_trampoline_lowered:
0x8: {  	[smem:$0x3FA9] =	sst s0  }
0x9: {  	[smem:$0x3FAA] =	sst s1  }
0xa: {  	[smem:$0x3FAB] =	sst s2  }
0xb: {  	[smem:$0x3FAC] =	sst s3  }
0xc: {  	[smem:$0x3FAD] =	sst s4  }
0xd: {  	[smem:$0x3FAE] =	sst s5  }
0xe: {  	[smem:$0x3FAF] =	sst s6  }
0xf: {  	[smem:$0x3FB0] =	sst s7  }
0x10: {  	[smem:$0x3FB1] =	sst s8  }
0x11: {  	[smem:$0x3FB2] =	sst s9;
	s0 =	simm.s32 @!p0 $0x0  }
0x12: {  	s1 =	sld [smem:$0x3F98];
	s0 =	simm.s32 @p0 $0x1  }
0x13: {  	[smem:$0x3FB3] =	sst s0;
	s0 =	simm.s32 @!p1 $0x0  }
0x14: {  	s2 =	sld [smem:$0x3F97];
	s0 =	simm.s32 @p1 $0x1  }
0x15: {  	[smem:$0x3FB4] =	sst s0;
	s0 =	simm.s32 @!p2 $0x0  }
0x16: {  	s3 =	sld [smem:$0x3FDB];
	s0 =	simm.s32 @p2 $0x1  }
0x17: {  	s4 =	simm.s32 $0x1BF5;
	[smem:$0x3FB6] =	sst s0  }
0x18: {  	s0 =	sld [smem:$0x3F99];
	_ =	swait.ge [sflag:s4], $0x0  }
0x19: {  	s7 =	sld [smem:$0x3F9A]  }
0x1a: {  	s8 =	sadd.s32 $0xFFFFE003, lr  }
0x1b: {  	s9 =	sadd.s32 $0xFFFFFEF7, lr;
	s5 =	simm.s32 $0xFFFFFFFF;
	p2 =	slt.u32 s8, $0xFFFFF086  }
0x1c: {  	p1 =	slt.u32 s9, $0xF7A;
	s5 =	simm.s32 @!p2 $0x0  }
0x1d: {  	s5 =	simm.s32 @p1 $0x1;
	p0 =	seq.s32 s7, s2  }
0x1e: {  	s7 =	smul.u32 @!p0 $0xF7A, s2;
	p2 =	seq.s32 @!p0 s5, $0x0  }
0x1f: {  	s9 =	smul.u32 $0xF7A, s1;
	s8 =	simm.s32 @!p0 $0x1BF5;
	p2 =	por !p2, p0  }
0x20: {  	[sflag:s8] =	ssyncset.s32 @!p0 $0xFFFFF086;
	s6 =	sadd.s32 @!p0 s3, s7;
	s7 =	simm.s32 @!p0 $0x108  }
0x21: {  	s3 =	sadd.s32 s3, s9;
	s6 =	sadd.s32 @!p0 $0x88, s6;
	s7 =	simm.s32 @p2 $0x1082  }
0x22: {  	[simem:s7], [sflag:s8] =	dma.local @!p0 [hbm:s6], $0xF7A  }
0x23: {  	s9 =	sor.u32 $0xD0000000, s2;
	s6 =	simm.s32 $0x108;
	_ =	swait.ge @!p0 [sflag:s8], $0x0  }
0x24: {  	s3 =	sadd.s32 $0x88, s3;
	s6 =	simm.s32 @!p1 $0x1082;
	[sflag:s4] =	ssyncset.s32 $0xFFFFF086  }
0x25: {  	[simem:s6], [sflag:s4] =	dma.local [hbm:s3], $0xF7A  }
0x26: {  	[smem:$0x3F9A] =	sst s1;
	(tag) =	ssettag s2;
	_ =	strace s9  }
0x27: {  	s1 =	sld [smem:$0x3FAA]  }
0x28: {  	s2 =	sld [smem:$0x3FAB]  }
0x29: {  	s4 =	sld [smem:$0x3FAD]  }
0x2a: {  	p0 =	seq.s32 s5, $0x0;
	s5 =	sld [smem:$0x3FAE]  }
0x2b: {  	s6 =	sld [smem:$0x3FAF]  }
0x2c: {  	s7 =	sld [smem:$0x3FB0]  }
0x2d: {  	s3 =	simm.s32 $0x108;
	s8 =	sld [smem:$0x3FB1]  }
0x2e: {  	s3 =	simm.s32 @!p0 $0x1082;
	s9 =	sld [smem:$0x3FB2]  }
0x2f: {  	lr =	sadd.s32 s0, s3;
	s0 =	sld [smem:$0x3FA9]  }
0x30: {  	s3 =	sld [smem:$0x3FAC]  }
0x31: {  	[smem:$0x3FB5] =	sst s10  }
0x32: {  	s10 =	sld [smem:$0x3FB3];
	_ =	sdelay $0x3  }
0x33: {  	p0 =	seq.s32 s10, $0x1;
	s10 =	sld [smem:$0x3FB5];
	_ =	sdelay $0x3  }
0x34: {  	[smem:$0x3FB5] =	sst s10  }
0x35: {  	s10 =	sld [smem:$0x3FB4];
	_ =	sdelay $0x3  }
0x36: {  	p1 =	seq.s32 s10, $0x1;
	s10 =	sld [smem:$0x3FB5];
	_ =	sdelay $0x3  }
0x37: {  	[smem:$0x3FB5] =	sst s10  }
0x38: {  	s10 =	sld [smem:$0x3FB6]  }
0x39: {  	_ = 	snop;
	(pc) =	sbr.ind lr, $3  }
0x3a: {  	_ = 	snop  }
0x3b: {  	_ = 	snop  }
0x3c: {  	p2 =	seq.s32 s10, $0x1;
	s10 =	sld [smem:$0x3FB5]  }
0x3d: {  	_ =	shalt  }
0x3e: {  	_ =	shalt  }
0x3f: {  	_ =	shalt  }
0x40: {  	_ =	shalt  }
0x41: {  	_ =	shalt  }
0x42: {  	_ =	shalt  }
0x43: {  	_ =	shalt  }
0x44: {  	_ =	shalt  }
0x45: {  	_ =	shalt  }
0x46: {  	_ =	shalt  }
0x47: {  	_ =	shalt  }
0x48: {  	_ =	shalt  }
0x49: {  	_ =	shalt  }
0x4a: {  	_ =	shalt  }
0x4b: {  	_ =	shalt  }
0x4c: {  	_ =	shalt  }
0x4d: {  	_ =	shalt  }
0x4e: {  	_ =	shalt  }
0x4f: {  	_ =	shalt  }
0x50: {  	_ =	shalt  }
0x51: {  	_ =	shalt  }
0x52: {  	_ =	shalt  }
0x53: {  	_ =	shalt  }
0x54: {  	_ =	shalt  }
0x55: {  	_ =	shalt  }
0x56: {  	_ =	shalt  }
0x57: {  	_ =	shalt  }
0x58: {  	_ =	shalt  }
0x59: {  	_ =	shalt  }
0x5a: {  	_ =	shalt  }
0x5b: {  	_ =	shalt  }
0x5c: {  	_ =	shalt  }
0x5d: {  	_ =	shalt  }
0x5e: {  	_ =	shalt  }
0x5f: {  	_ =	shalt  }
0x60: {  	_ =	shalt  }
0x61: {  	_ =	shalt  }
0x62: {  	_ =	shalt  }
0x63: {  	_ =	shalt  }
0x64: {  	_ =	shalt  }
0x65: {  	_ =	shalt  }
0x66: {  	_ =	shalt  }
0x67: {  	_ =	shalt  }
0x68: {  	_ =	shalt  }
0x69: {  	_ =	shalt  }
0x6a: {  	_ =	shalt  }
0x6b: {  	_ =	shalt  }
0x6c: {  	_ =	shalt  }
0x6d: {  	_ =	shalt  }
0x6e: {  	_ =	shalt  }
0x6f: {  	_ =	shalt  }
0x70: {  	_ =	shalt  }
0x71: {  	_ =	shalt  }
0x72: {  	_ =	shalt  }
0x73: {  	_ =	shalt  }
0x74: {  	_ =	shalt  }
0x75: {  	_ =	shalt  }
0x76: {  	_ =	shalt  }
0x77: {  	_ =	shalt  }
0x78: {  	_ =	shalt  }
0x79: {  	_ =	shalt  }
0x7a: {  	_ =	shalt  }
0x7b: {  	_ =	shalt  }
0x7c: {  	_ =	shalt  }
0x7d: {  	_ =	shalt  }
0x7e: {  	_ =	shalt  }
0x7f: {  	_ =	shalt  }
0x80: {  	_ =	shalt  }
0x81: {  	_ =	shalt  }
0x82: {  	_ =	shalt  }
0x83: {  	_ =	shalt  }
0x84: {  	_ =	shalt  }
0x85: {  	_ =	shalt  }
0x86: {  	_ =	shalt  }
0x87: {  	_ =	shalt  }
.Lfunc_end0:
.L_simem_size_0:
called_computation_lowered:
.L_overlay_start_0:
0x88: {  	s2 =	sld [smem:$0x3FD9]  }
0x89: {  	s3 =	sld [smem:$0x3FFE];
	_ =	sdelay $0x1  }
0x8a: {  	s1 =	srdreg.scid  }
0x8b: {  	s0 =	sand.u32 $0x1, s1  }
0x8c: {  	s17 =	sshll.u32 s0, $0xA;
	s2 =	sadd.s32 s3, s2  }
0x8d: {  	s2 =	sadd.s32 s2, s17  }
0x8e: {  	[smem:$0x3FC1] =	sst s2  }
0x8f: {  	_ = 	snop  }
0x90: {  	s2 =	sld [smem:$0x3FC9]  }
0x91: {  	s18 =	sld [smem:$0x3FC7]  }
0x92: {  	s4 =	sld [smem:$0x3FD0];
	(tm) =	ssettm $0x1  }
0x93: {  	s5 =	sld [smem:$0x3FFB];
	_ =	sdelay $0x3  }
0x94: {  	_ =	strace s5  }
0x95: {  	s5 =	sld [smem:$0x3FFC];
	_ =	sdelay $0x3  }
0x96: {  	_ =	strace s5  }
0x97: {  	s5 =	sld [smem:$0x3FFD];
	_ =	sdelay $0x3  }
0x98: {  	_ =	strace s5  }
0x99: {  	_ =	strace $0x8FFFFFFF  }
0x9a: {  	s19 =	sld [smem:$0x3FDB];
	_ =	sdelay $0x1  }
0x9b: {  	s6 =	simm.s32 $_scs_section_size  }
0x9c: {  	s7 =	simm.s32 $_size__tile_overlayer_lowered;
	s8 =	simm.s32 $_tile_overlayer_lowered  }
0x9d: {  	s22 =	simm.s32 $0x1BFF;
	s21 =	sshll.u32 s8, $0x1;
	s5 =	sadd.s32 s6, s19  }
0x9e: {  	s9 =	simm.s32 $0x0;
	s20 =	sshll.u32 s7, $0x1;
	s7 =	sadd.s32 s21, s5  }
0x9f: {  	[timem:s9], [sflag:s22] =	dma.local [hbm:s7], s20  }
0xa0: {  	_ =	swait.ge [sflag:s22], s20  }
0xa1: {  	s6 =	ssub.s32 $0x0, s20;
	[sflag:s22] =	ssyncset.done $0x0  }
0xa2: {  	[sflag:s22] =	ssyncadd.s32 s6;
	_ =	sdelay $0x1  }
0xa3: {  	s23 =	simm.s32 $0x1B8B  }
0xa4: {  	_ =	swait.ge [sflag:s23], $0x1  }
0xa5: {  	[sflag:s23] =	ssyncset.done $0x0  }
0xa6: {  	s25 =	simm.s32 $0x1B8E;
	s24 =	sld [smem:$0x3FFE];
	[sflag:s23] =	ssyncadd.s32 $0xFFFFFFFF  }
0xa7: {  	s26 =	simm.s32 $execute0_lowered;
	[smem:$0x3FD2] =	sst s25  }
0xa8: {  	s7 =	sshll.u32 s26, $0x1;
	_ =	strace $0x80000046;
	[dreg:$0x1] =	wrdreg $0xFFFFFFFF  }
0xa9: {  	s28 =	simm.s32 $_size_execute0_lowered;
	s5 =	sadd.s32 s5, s7;
	[dreg:$0x0] =	wrdreg $0x0  }
0xaa: {  	s7 =	sshll.u32 s28, $0x1;
	[dreg:$0x2] =	wrdreg s5  }
0xab: {  	[dreg:$0x3] =	wrdreg s7  }
0xac: {  	[dreg:$0x4] =	wrdreg $0xC0  }
0xad: {  	_ =	task [dreg:s9], $0x5FFFF  }
0xae: {  	[dreg:$0x1] =	wrdreg $0xFFFFFFFF  }
0xaf: {  	[dreg:$0x0] =	wrdreg $0x60  }
0xb0: {  	[dreg:$0x2] =	wrdreg s2  }
0xb1: {  	[dreg:$0x3] =	wrdreg s24  }
0xb2: {  	[dreg:$0x4] =	wrdreg s4  }
0xb3: {  	[dreg:$0x5] =	wrdreg s18  }
0xb4: {  	[dreg:$0x6] =	wrdreg $0x0  }
0xb5: {  	[dreg:$0x7] =	wrdreg $0x9  }
0xb6: {  	_ =	task.clear_ibuf [dreg:s9], $0x8FFFF;
	_ =	strace $0x90000046  }
0xb7: {  	s29 =	simm.s32 $0x9;
	_ =	strace $0x80000048  }
0xb8: {  	_ =	swait.ge [sflag:s29], $0x1  }
0xb9: {  	[sflag:s29] =	ssyncadd.s32 $0xFFFFFFFF  }
0xba: {  	_ =	strace $0x90000048  }
0xbb: {  	_ =	sfence  }
0xbc: {  	s30 =	sld [smem:$0x0];
	_ =	sdelay $0x2  }
0xbd: {  	s31 =	sshll.u32 s1, $0xD;
	s1 =	sshrl.u32 s1, $0x2  }
0xbe: {  	s3 =	sand.u32 $0x4000, s31;
	s1 =	sadd.s32 s1, s30  }
0xbf: {  	s0 =	sor.u32 s3, s0;
	s1 =	sshll.u32 s1, $0x11  }
0xc0: {  	s0 =	sor.u32 s1, s0  }
0xc1: {  	s0 =	sadd.s32 $0x8F2B, s0  }
0xc2: {  	[sflag:s0] =	ssyncadd.remote.s32 $0x1  }
0xc3: {  	_ =	sfence.sel $0xFFFF  }
0xc4: {  	[dreg:$0x0] =	wrdreg $0xFFFFFFFF;
	(pc) =	sbr.abs _section_cstart, $3  }
0xc5: {  	[dreg:$0x1] =	wrdreg $0xFFFFFFFF  }
0xc6: {  	_ =	task.clear_ibuf [dreg:s9], $0x2FFFF;
	_ =	strace $0x9FFFFFFF  }
0xc7: {  	(tm) =	ssettm $0x7FFFFFFF  }
tec
execute0_lowered:
.L_overlay_start_1:
0x0: {  	(tag) =	ssettag $0x1  }
0x1: {  	s1 =	rddreg [dreg:$0x0]  }
0x2: {  	s0 =	rddreg [dreg:$0x1]  }
0x3: {  	s2 =	rddreg [dreg:$0x2]  }
0x4: {  	s3 =	rddreg [dreg:$0x3]  }
0x5: {  	s5 =	rddreg [dreg:$0x4]  }
0x6: {  	s7 =	srdreg.scid;
	s6 =	simm.s32 $0x0;
	s4 =	stileid.u32  }
0x7: {  	s22 =	simm.s32 $0x2;
	s23 =	simm.s32 $0x1B880;
	s24 =	simm.s32 $0x1B900  }
0x8: {  	s25 =	simm.s32 $0x13880;
	s26 =	simm.s32 $0x80;
	s28 =	simm.s32 $0x1  }
0x9: {  	s13 =	sand.u32 $0x1, s7;
	[smem:$0x7FF] =	sst s6;
	s9 =	smul.u32 $0x4E000, s4  }
0xa: {  	s7 =	sadd.s32 $0x800, s0;
	s0 =	sadd.s32 $0xA600, s0;
	s11 =	sshll.u32 s4, $0x8  }
0xb: {  	s19 =	smul.u32 $0x13800, s4;
	s14 =	sadd.s32 $0x138000, s5;
	p0 =	sne.s32 s4, $0xF  }
0xc: {  	p1 =	sgt.u32 s4, $0x1;
	s8 =	ssub.s32 $0x2, s13;
	_ =	strace $0x80000047  }
0xd: {  	s12 =	sshll.u32 s13, $0x7;
	s18 =	smul.u32 $0x138800, s13;
	s10 =	sshrl.u32 s8, $0x1  }
0xe: {  	s31 =	sshrl.u32 s9, $0x2;
	s11 =	sor.u32 s12, s11;
	s20 =	ssub.s32 s8, s10  }
0xf: {  	s8 =	sadd.s32 s31, s5;
	s17 =	sor.u32 $0x4E000, s11;
	s19 =	sadd.s32 s19, s18  }
0x10: {  	s18 =	sshrl.u32 s18, $0x3;
	s9 =	sadd.s32 $0x4000, s8;
	s10 =	sadd.s32 $0x8000, s8  }
.Ltmp0:
0x11: {  	s12 =	sadd.s32 $0xC000, s8;
	s13 =	sadd.s32 $0x10000, s8;
	(pc) =	sbr.rel .LBB2_1-.Ltmp0, $4  }
0x12: {  	s16 =	sshrl.u32 s17, $0x3;
	s17 =	sshll.u32 s17, $0x4;
	s19 =	sshrl.u32 s19, $0x3  }
0x13: {  	s21 =	sadd.s32 s0, s18;
	s20 =	smax.u32 s20, $0x1;
	s15 =	sadd.s32 s7, s16  }
0x14: {  	s16 =	sadd.s32 s2, s16;
	s17 =	sadd.s32 s3, s17;
	s18 =	sadd.s32 s0, s19  }
0x15: {  	v0 =	vimm.f32 $0.0e+00;
	s19 =	sadd.s32 $0x27000, s21;
	s21 =	simm.s32 $0x17880;
	[dreg:$0x6] =	wrdreg s15  }
.LBB2_11:
0x16: {  	s0 =	sshll.u32 s4, $0x6  }
0x17: {  	[bflag:$0x0] =	sbarrier.arrive $0xFFFF;
	s15 =	sshrl.u32 s8, $0x3;
	s0 =	sor.u32 $0x1C02, s0  }
0x18: {  	[hbm:s18], [sflag:s0] =	dma.local [spmem:s15], $0x2700  }
0x19: {  	_ =	swait.ge [sflag:s22], $0x2700  }
0x1a: {  	s6 =	sadd.s32 $0x1, s6;
	[sflag:s22] =	ssyncset.done $0x0  }
0x1b: {  	p2 =	sne.s32 s6, s20;
	s15 =	sshrl.u32 @!p0 s14, $0x3;
	[sflag:s22] =	ssyncadd.s32 $0xFFFFD900  }
0x1c: {  	[hbm:s19], [sflag:s0] =	dma.local @!p0 [spmem:s15], $0x100  }
.Ltmp1:
0x1d: {  	_ = 	snop;
	(pc) =	sbr.rel @!p2 .LBB2_12-.Ltmp1, $4  }
0x1e: {  	s0 =	simm.s32 @!p0 $0x2  }
0x1f: {  	_ =	swait.ge @!p0 [sflag:s0], $0x100  }
0x20: {  	[sflag:s0] =	ssyncset.done @!p0 $0x0  }
0x21: {  	[sflag:s0] =	ssyncadd.s32 @!p0 $0xFFFFFF00  }
.LBB2_1:
0x22: {  	s0 =	simm.s32 $0x0;
	s29 =	simm.s32 $0x200  }
.LBB2_2:
0x23: {  	p2 =	sne.s32 s29, $0xFE00;
	[tilespmem:s0+$0x178F0] =	vst v0  }
0x24: {  	[tilespmem:s0+$0x17880] =	vst v0  }
0x25: {  	[tilespmem:s0+$0x17890] =	vst v0  }
.Ltmp2:
0x26: {  	[tilespmem:s0+$0x178A0] =	vst v0;
	(pc) =	sbr.rel @p2 .LBB2_2-.Ltmp2, $4  }
0x27: {  	[tilespmem:s0+$0x178B0] =	vst v0  }
0x28: {  	[tilespmem:s0+$0x178C0] =	vst v0  }
0x29: {  	[tilespmem:s0+$0x178D0] =	vst v0  }
0x2a: {  	[tilespmem:s0+$0x178E0] =	vst v0;
	s0 =	sshra.s32 s29, $0x2;
	s29 =	sadd.s32 $0x200, s29  }
0x2b: {  	[tilespmem:s0+$0x178F0] =	vst v0  }
0x2c: {  	[tilespmem:s0+$0x17880] =	vst v0  }
0x2d: {  	[tilespmem:s0+$0x17890] =	vst v0  }
0x2e: {  	[tilespmem:s0+$0x178A0] =	vst v0  }
0x2f: {  	[tilespmem:s0+$0x178B0] =	vst v0  }
0x30: {  	[tilespmem:s0+$0x178C0] =	vst v0  }
0x31: {  	[tilespmem:s0+$0x178D0] =	vst v0  }
0x32: {  	[tilespmem:s0+$0x178E0] =	vst v0  }
0x33: {  	[spmem:s8] =	stream.linear.scatter [tilespmem:s21], [sflag:$0x2], $0x4000, $0x38;
	[tilespmem:$0x1B980] =	vst v63  }
0x34: {  	_ =	swait.ge [sflag:s22], $0x4000  }
0x35: {  	[sflag:s22] =	ssyncset.done $0x0  }
0x36: {  	[sflag:s22] =	ssyncadd.s32 $0xFFFFC000  }
0x37: {  	[spmem:s9] =	stream.linear.scatter [tilespmem:s21], [sflag:$0x2], $0x4000, $0x38;
	[tilespmem:$0x1B980] =	vst v63  }
0x38: {  	_ =	swait.ge [sflag:s22], $0x4000  }
0x39: {  	[sflag:s22] =	ssyncset.done $0x0  }
0x3a: {  	[sflag:s22] =	ssyncadd.s32 $0xFFFFC000  }
0x3b: {  	[spmem:s10] =	stream.linear.scatter [tilespmem:s21], [sflag:$0x2], $0x4000, $0x38;
	[tilespmem:$0x1B980] =	vst v63  }
0x3c: {  	_ =	swait.ge [sflag:s22], $0x4000  }
0x3d: {  	[sflag:s22] =	ssyncset.done $0x0  }
0x3e: {  	[sflag:s22] =	ssyncadd.s32 $0xFFFFC000  }
0x3f: {  	[spmem:s12] =	stream.linear.scatter [tilespmem:s21], [sflag:$0x2], $0x4000, $0x38;
	[tilespmem:$0x1B980] =	vst v63  }
0x40: {  	_ =	swait.ge [sflag:s22], $0x4000  }
0x41: {  	[sflag:s22] =	ssyncset.done $0x0  }
0x42: {  	[sflag:s22] =	ssyncadd.s32 $0xFFFFC000  }
0x43: {  	[spmem:s13] =	stream.linear.scatter [tilespmem:s21], [sflag:$0x2], $0x3800, $0x38;
	[tilespmem:$0x1B980] =	vst v63  }
0x44: {  	_ =	swait.ge [sflag:s22], $0x3800  }
0x45: {  	[sflag:s22] =	ssyncset.done $0x0  }
0x46: {  	s0 =	simm.s32 @!p0 $0x17880;
	[sflag:s22] =	ssyncadd.s32 $0xFFFFC800  }
0x47: {  	[spmem:s14] =	stream.linear.scatter @!p0 [tilespmem:s0], [sflag:$0x2], $0x800, $0x38;
	[tilespmem:$0x1B980] =	vst v63  }
0x48: {  	s0 =	simm.s32 @!p0 $0x2  }
0x49: {  	_ =	swait.ge @!p0 [sflag:s0], $0x800  }
0x4a: {  	[sflag:s0] =	ssyncset.done @!p0 $0x0  }
0x4b: {  	[sflag:s0] =	ssyncadd.s32 @!p0 $0xFFFFF800  }
0x4c: {  	s29 =	simm.s32 $0x0;
	s30 =	simm.s32 $0x0;
	[bflag:$0x0] =	sbarrier.arrive $0xFFFF  }
.LBB2_4:
0x4d: {  	s0 =	sshll.u32 s30, $0xC  }
0x4e: {  	s0 =	sor.u32 s11, s0  }
0x4f: {  	s31 =	sshrl.u32 s0, $0x3  }
0x50: {  	s15 =	sadd.s32 s7, s31  }
0x51: {  	[tilespmem:s23], [sflag:$0x2] =	stream.linear.gather [hbm4b:s15+s29], $0x80, $0x38;
	[tilespmem:$0x1B980] =	vst v63  }
0x52: {  	_ =	swait.ge [sflag:s22], $0x80  }
0x53: {  	[sflag:s22] =	ssyncset.done $0x0  }
0x54: {  	s15 =	sadd.s32 s2, s31;
	[sflag:s22] =	ssyncadd.s32 $0xFFFFFF80  }
0x55: {  	[tilespmem:s24], [sflag:$0x2] =	stream.linear.gather [hbm4b:s15+s29], $0x80, $0x38;
	[tilespmem:$0x1B980] =	vst v63  }
0x56: {  	_ =	swait.ge [sflag:s22], $0x80  }
0x57: {  	s0 =	sshll.u32 s0, $0x4;
	[sflag:s22] =	ssyncset.done $0x0  }
0x58: {  	s0 =	sadd.s32 s3, s0;
	[sflag:s22] =	ssyncadd.s32 $0xFFFFFF80  }
0x59: {  	[tilespmem:s25], [sflag:$0x2] =	stream.linear.gather [hbm4b:s0+s29], $0x4000, $0x38;
	[tilespmem:$0x1B980] =	vst v63  }
0x5a: {  	_ =	swait.ge [sflag:s22], $0x4000  }
0x5b: {  	[sflag:s22] =	ssyncset.done $0x0  }
0x5c: {  	[sflag:s22] =	ssyncadd.s32 $0xFFFFC000  }
0x5d: {  	[tilespmem:s21], [sflag:$0x1] =	stream.indirect.gather [hbm4b:s1+s26], $0x80, s23, s26, $0xb8;
	[tilespmem:$0x1B980] =	vst v63  }
0x5e: {  	_ =	swait.ge [sflag:s28], $0x4000  }
0x5f: {  	[sflag:s28] =	ssyncset.done $0x0  }
0x60: {  	s31 =	simm.s32 $0x0;
	[sflag:s28] =	ssyncadd.s32 $0xFFFFC000  }
0x61: {  	v7 =	vld [tilespmem:s31+$0x17880]  }
0x62: {  	v12 =	vld [tilespmem:s31+$0x17890]  }
0x63: {  	v6 =	vld [tilespmem:s31+$0x178A0]  }
0x64: {  	v5 =	vld [tilespmem:s31+$0x178B0]  }
0x65: {  	v4 =	vld [tilespmem:s31+$0x178C0]  }
0x66: {  	v3 =	vld [tilespmem:s31+$0x178D0]  }
0x67: {  	v2 =	vld [tilespmem:s31+$0x178E0]  }
0x68: {  	v1 =	vld [tilespmem:s31+$0x178F0]  }
0x69: {  	v13 =	vld [tilespmem:s31+$0x13880]  }
0x6a: {  	v14 =	vld [tilespmem:s31+$0x13890]  }
0x6b: {  	v11 =	vld [tilespmem:s31+$0x138A0]  }
0x6c: {  	v10 =	vld [tilespmem:s31+$0x138B0]  }
0x6d: {  	v9 =	vld [tilespmem:s31+$0x138C0]  }
0x6e: {  	v8 =	vld [tilespmem:s31+$0x138D0];
	v13 =	vadd.f32 v7, v13  }
0x6f: {  	s0 =	simm.s32 $0x200;
	v12 =	vadd.f32 v12, v14;
	v7 =	vld [tilespmem:s31+$0x138E0]  }
.LBB2_5:
0x70: {  	s15 =	sshra.s32 s0, $0x2;
	p2 =	sne.s32 s0, $0xFE00;
	v13 =	vmax.f32 v13, $0.0e+00;
	v6 =	vadd.f32 v6, v11;
	v11 =	vld [tilespmem:s31+$0x138F0]  }
0x71: {  	v14 =	vld [tilespmem:s15+$0x17880];
	[tilespmem:s31+$0x13880] =	vst v13;
	v12 =	vmax.f32 v12, $0.0e+00;
	v5 =	vadd.f32 v5, v10  }
0x72: {  	v15 =	vld [tilespmem:s15+$0x17890];
	[tilespmem:s31+$0x13890] =	vst v12;
	v10 =	vmax.f32 v6, $0.0e+00;
	v4 =	vadd.f32 v4, v9  }
0x73: {  	v6 =	vld [tilespmem:s15+$0x178A0];
	[tilespmem:s31+$0x138A0] =	vst v10;
	v9 =	vmax.f32 v5, $0.0e+00;
	v3 =	vadd.f32 v3, v8  }
0x74: {  	v5 =	vld [tilespmem:s15+$0x178B0];
	[tilespmem:s31+$0x138B0] =	vst v9;
	v8 =	vmax.f32 v4, $0.0e+00;
	v2 =	vadd.f32 v2, v7  }
0x75: {  	v4 =	vld [tilespmem:s15+$0x178C0];
	[tilespmem:s31+$0x138C0] =	vst v8;
	v7 =	vmax.f32 v3, $0.0e+00;
	v1 =	vadd.f32 v1, v11  }
0x76: {  	v3 =	vld [tilespmem:s15+$0x178D0];
	[tilespmem:s31+$0x138D0] =	vst v7;
	v7 =	vmax.f32 v2, $0.0e+00  }
0x77: {  	v2 =	vld [tilespmem:s15+$0x178E0];
	[tilespmem:s31+$0x138E0] =	vst v7;
	v7 =	vmax.f32 v1, $0.0e+00  }
0x78: {  	v1 =	vld [tilespmem:s15+$0x178F0];
	[tilespmem:s31+$0x138F0] =	vst v7;
	s31 =	smov.u32 s15  }
0x79: {  	v7 =	vld [tilespmem:s31+$0x13880]  }
0x7a: {  	v12 =	vld [tilespmem:s31+$0x13890]  }
.Ltmp3:
0x7b: {  	v11 =	vld [tilespmem:s31+$0x138A0];
	(pc) =	sbr.rel @p2 .LBB2_5-.Ltmp3, $4  }
0x7c: {  	v10 =	vld [tilespmem:s31+$0x138B0]  }
0x7d: {  	v9 =	vld [tilespmem:s31+$0x138C0]  }
0x7e: {  	v13 =	vadd.f32 v14, v7;
	v8 =	vld [tilespmem:s31+$0x138D0]  }
0x7f: {  	s0 =	sadd.s32 $0x200, s0;
	v12 =	vadd.f32 v15, v12;
	v7 =	vld [tilespmem:s31+$0x138E0]  }
0x80: {  	v13 =	vmax.f32 v13, $0.0e+00;
	v6 =	vadd.f32 v6, v11;
	v63 =	vld [tilespmem:s31+$0x138F0]  }
0x81: {  	[tilespmem:s31+$0x13880] =	vst v13;
	v12 =	vmax.f32 v12, $0.0e+00;
	v5 =	vadd.f32 v5, v10  }
0x82: {  	[tilespmem:s31+$0x13890] =	vst v12;
	v6 =	vmax.f32 v6, $0.0e+00;
	v4 =	vadd.f32 v4, v9  }
0x83: {  	[tilespmem:s31+$0x138A0] =	vst v6;
	v5 =	vmax.f32 v5, $0.0e+00;
	v3 =	vadd.f32 v3, v8  }
0x84: {  	[tilespmem:s31+$0x138B0] =	vst v5;
	v4 =	vmax.f32 v4, $0.0e+00;
	v2 =	vadd.f32 v2, v7  }
0x85: {  	[tilespmem:s31+$0x138C0] =	vst v4;
	v3 =	vmax.f32 v3, $0.0e+00;
	v1 =	vadd.f32 v1, v63  }
0x86: {  	s30 =	sadd.s32 $0x1, s30;
	[tilespmem:s31+$0x138D0] =	vst v3;
	v2 =	vmax.f32 v2, $0.0e+00  }
0x87: {  	p2 =	sne.s32 s30, $0x4E;
	[tilespmem:s31+$0x138E0] =	vst v2;
	v1 =	vmax.f32 v1, $0.0e+00  }
.Ltmp4:
0x88: {  	[tilespmem:s31+$0x138F0] =	vst v1;
	(pc) =	sbr.rel @p2 .LBB2_4-.Ltmp4, $4  }
0x89: {  	[spmem:s5] =	stream.indirect.scatter.add.f32 [tilespmem:s25], [sflag:$0x2], $0x80, s24, s26, $0xb8;
	[tilespmem:$0x1B980] =	vst v63  }
0x8a: {  	_ =	swait.ge [sflag:s22], $0x4000  }
0x8b: {  	[sflag:s22] =	ssyncset.done $0x0  }
0x8c: {  	[sflag:s22] =	ssyncadd.s32 $0xFFFFC000  }
.Ltmp5:
0x8d: {  	(pc) =	sbr.rel @p1 .LBB2_11-.Ltmp5, $1  }
0x8e: {  	_ =	sdelay $0x3  }
0x8f: {  	s0 =	simm.s32 $0x0;
	s15 =	rddreg [dreg:$0x6]  }
0x90: {  	[tilespmem:s23], [sflag:$0x2] =	stream.linear.gather [hbm4b:s15+s0], $0x80, $0x38;
	[tilespmem:$0x1B980] =	vst v63  }
0x91: {  	_ =	swait.ge [sflag:s22], $0x80  }
0x92: {  	[sflag:s22] =	ssyncset.done $0x0  }
0x93: {  	[sflag:s22] =	ssyncadd.s32 $0xFFFFFF80  }
0x94: {  	[tilespmem:s24], [sflag:$0x2] =	stream.linear.gather [hbm4b:s16+s0], $0x80, $0x38;
	[tilespmem:$0x1B980] =	vst v63  }
0x95: {  	_ =	swait.ge [sflag:s22], $0x80  }
0x96: {  	[sflag:s22] =	ssyncset.done $0x0  }
0x97: {  	[sflag:s22] =	ssyncadd.s32 $0xFFFFFF80  }
0x98: {  	[tilespmem:s25], [sflag:$0x2] =	stream.linear.gather [hbm4b:s17+s0], $0x4000, $0x38;
	[tilespmem:$0x1B980] =	vst v63  }
0x99: {  	_ =	swait.ge [sflag:s22], $0x4000  }
0x9a: {  	[sflag:s22] =	ssyncset.done $0x0  }
0x9b: {  	[sflag:s22] =	ssyncadd.s32 $0xFFFFC000  }
0x9c: {  	[tilespmem:s21], [sflag:$0x1] =	stream.indirect.gather [hbm4b:s1+s26], $0x80, s23, s26, $0xb8;
	[tilespmem:$0x1B980] =	vst v63  }
0x9d: {  	_ =	swait.ge [sflag:s28], $0x4000  }
0x9e: {  	[sflag:s28] =	ssyncset.done $0x0  }
0x9f: {  	s29 =	simm.s32 $0x0;
	[sflag:s28] =	ssyncadd.s32 $0xFFFFC000  }
0xa0: {  	v7 =	vld [tilespmem:s29+$0x17880]  }
0xa1: {  	v12 =	vld [tilespmem:s29+$0x17890]  }
0xa2: {  	v6 =	vld [tilespmem:s29+$0x178A0]  }
0xa3: {  	v5 =	vld [tilespmem:s29+$0x178B0]  }
0xa4: {  	v4 =	vld [tilespmem:s29+$0x178C0]  }
0xa5: {  	v3 =	vld [tilespmem:s29+$0x178D0]  }
0xa6: {  	v2 =	vld [tilespmem:s29+$0x178E0]  }
0xa7: {  	v1 =	vld [tilespmem:s29+$0x178F0]  }
0xa8: {  	v13 =	vld [tilespmem:s29+$0x13880]  }
0xa9: {  	v14 =	vld [tilespmem:s29+$0x13890]  }
0xaa: {  	v11 =	vld [tilespmem:s29+$0x138A0]  }
0xab: {  	v10 =	vld [tilespmem:s29+$0x138B0]  }
0xac: {  	v9 =	vld [tilespmem:s29+$0x138C0]  }
0xad: {  	v8 =	vld [tilespmem:s29+$0x138D0];
	v13 =	vadd.f32 v7, v13  }
0xae: {  	s0 =	simm.s32 $0x200;
	v12 =	vadd.f32 v12, v14;
	v7 =	vld [tilespmem:s29+$0x138E0]  }
.LBB2_9:
0xaf: {  	s15 =	sshra.s32 s0, $0x2;
	p2 =	sne.s32 s0, $0xFE00;
	v13 =	vmax.f32 v13, $0.0e+00;
	v6 =	vadd.f32 v6, v11;
	v11 =	vld [tilespmem:s29+$0x138F0]  }
0xb0: {  	v14 =	vld [tilespmem:s15+$0x17880];
	[tilespmem:s29+$0x13880] =	vst v13;
	v12 =	vmax.f32 v12, $0.0e+00;
	v5 =	vadd.f32 v5, v10  }
0xb1: {  	v15 =	vld [tilespmem:s15+$0x17890];
	[tilespmem:s29+$0x13890] =	vst v12;
	v10 =	vmax.f32 v6, $0.0e+00;
	v4 =	vadd.f32 v4, v9  }
0xb2: {  	v6 =	vld [tilespmem:s15+$0x178A0];
	[tilespmem:s29+$0x138A0] =	vst v10;
	v9 =	vmax.f32 v5, $0.0e+00;
	v3 =	vadd.f32 v3, v8  }
0xb3: {  	v5 =	vld [tilespmem:s15+$0x178B0];
	[tilespmem:s29+$0x138B0] =	vst v9;
	v8 =	vmax.f32 v4, $0.0e+00;
	v2 =	vadd.f32 v2, v7  }
0xb4: {  	v4 =	vld [tilespmem:s15+$0x178C0];
	[tilespmem:s29+$0x138C0] =	vst v8;
	v7 =	vmax.f32 v3, $0.0e+00;
	v1 =	vadd.f32 v1, v11  }
0xb5: {  	v3 =	vld [tilespmem:s15+$0x178D0];
	[tilespmem:s29+$0x138D0] =	vst v7;
	v7 =	vmax.f32 v2, $0.0e+00  }
0xb6: {  	v2 =	vld [tilespmem:s15+$0x178E0];
	[tilespmem:s29+$0x138E0] =	vst v7;
	v7 =	vmax.f32 v1, $0.0e+00  }
0xb7: {  	v1 =	vld [tilespmem:s15+$0x178F0];
	[tilespmem:s29+$0x138F0] =	vst v7;
	s29 =	smov.u32 s15  }
0xb8: {  	v7 =	vld [tilespmem:s29+$0x13880]  }
0xb9: {  	v12 =	vld [tilespmem:s29+$0x13890]  }
.Ltmp6:
0xba: {  	v11 =	vld [tilespmem:s29+$0x138A0];
	(pc) =	sbr.rel @p2 .LBB2_9-.Ltmp6, $4  }
0xbb: {  	v10 =	vld [tilespmem:s29+$0x138B0]  }
0xbc: {  	v9 =	vld [tilespmem:s29+$0x138C0]  }
0xbd: {  	v13 =	vadd.f32 v14, v7;
	v8 =	vld [tilespmem:s29+$0x138D0]  }
0xbe: {  	s0 =	sadd.s32 $0x200, s0;
	v12 =	vadd.f32 v15, v12;
	v7 =	vld [tilespmem:s29+$0x138E0]  }
0xbf: {  	v13 =	vmax.f32 v13, $0.0e+00;
	v6 =	vadd.f32 v6, v11;
	v63 =	vld [tilespmem:s29+$0x138F0]  }
0xc0: {  	[tilespmem:s29+$0x13880] =	vst v13;
	v12 =	vmax.f32 v12, $0.0e+00;
	v5 =	vadd.f32 v5, v10  }
0xc1: {  	[tilespmem:s29+$0x13890] =	vst v12;
	v6 =	vmax.f32 v6, $0.0e+00;
	v4 =	vadd.f32 v4, v9  }
0xc2: {  	[tilespmem:s29+$0x138A0] =	vst v6;
	v5 =	vmax.f32 v5, $0.0e+00;
	v3 =	vadd.f32 v3, v8  }
0xc3: {  	[tilespmem:s29+$0x138B0] =	vst v5;
	v4 =	vmax.f32 v4, $0.0e+00;
	v2 =	vadd.f32 v2, v7  }
0xc4: {  	[tilespmem:s29+$0x138C0] =	vst v4;
	v3 =	vmax.f32 v3, $0.0e+00;
	v1 =	vadd.f32 v1, v63  }
0xc5: {  	[tilespmem:s29+$0x138D0] =	vst v3;
	v2 =	vmax.f32 v2, $0.0e+00  }
0xc6: {  	[tilespmem:s29+$0x138E0] =	vst v2;
	v1 =	vmax.f32 v1, $0.0e+00  }
.Ltmp7:
0xc7: {  	[tilespmem:s29+$0x138F0] =	vst v1;
	(pc) =	sbr.rel .LBB2_11-.Ltmp7, $4  }
0xc8: {  	[spmem:s5] =	stream.indirect.scatter.add.f32 [tilespmem:s25], [sflag:$0x2], $0x80, s24, s26, $0xb8;
	[tilespmem:$0x1B980] =	vst v63  }
0xc9: {  	_ =	swait.ge [sflag:s22], $0x4000  }
0xca: {  	[sflag:s22] =	ssyncset.done $0x0  }
0xcb: {  	[sflag:s22] =	ssyncadd.s32 $0xFFFFC000  }
.LBB2_12:
0xcc: {  	_ =	sfence.sel $0x180000  }
0xcd: {  	[bflag:$0x0] =	sbarrier.arrive $0xFFFF  }
0xce: {  	_ =	strace $0x90000047  }
0xcf: {  	[bflag:$0x2] =	sbarrier.arrive $0xFFFF  }
0xd0: {  	p0 =	sne.s32 s4, $0x0;
	s0 =	rddreg [dreg:$0x5]  }
0xd1: {  	s0 =	sadd.s32 @!p0 $0x100000, s0  }
0xd2: {  	[sflag:s0] =	ssyncadd.tile.s32 @!p0 $0x1;
	_ =	shalt  }
.Lfunc_end2:
_tile_overlayer_lowered:
.L_overlay_start_2:
0xd3: {  	(tag) =	ssettag $0x2  }
0xd4: {  	s0 =	rddreg [dreg:$0x0];
	s2 =	stileid.u32  }
0xd5: {  	s1 =	rddreg [dreg:$0x1];
	p0 =	sne.s32 s2, $0x0  }
0xd6: {  	s3 =	rddreg [dreg:$0x2];
	[bflag:$0x3] =	sbarrier.arrive $0xFFFF;
	s2 =	simm.s32 @!p0 $0x1C02  }
0xd7: {  	[timem:s3], [sflag:s2] =	dma.local @!p0 [hbm:s0], s1  }
0xd8: {  	s0 =	simm.s32 @!p0 $0x2  }
0xd9: {  	_ =	swait.ge @!p0 [sflag:s0], s1  }
0xda: {  	s1 =	ssub.s32 @!p0 $0x0, s1;
	[sflag:s0] =	ssyncset.done @!p0 $0x0  }
0xdb: {  	[sflag:s0] =	ssyncadd.s32 @!p0 s1  }
0xdc: {  	[bflag:$0x3] =	sbarrier.arrive $0xFFFF  }
0xdd: {  	_ =	shalt  }

</sc_bundles>
